<compile_context>
chip_gen: v7x
topology: tpu7x:2x2x1
jax: 0.10.2.dev20260603
libtpu: 0.0.44.dev20260713+nightly
codegen_flags: <defaults>
</compile_context>

<pallas_src>
import functools

import jax
import jax.numpy as jnp
from jax import lax
from jax.experimental import pallas as pl
from jax.experimental.pallas import tpu as pltpu
from jax.experimental.pallas import tpu_sc as plsc

N = 10000
E = 160000
D = 256
DH = 128
N_PAD = 10240
TRASH = N
NSUB = 16
CHUNK = 128
CH_PER_SUB = 80
EDGES_PER_SUB = CH_PER_SUB * CHUNK
E_PAD = NSUB * EDGES_PER_SUB
ROWS_PER_SUB = N_PAD // NSUB
NGRP = CH_PER_SUB // 4

_MESH = plsc.VectorSubcoreMesh(core_axis_name="c", subcore_axis_name="s")


@functools.partial(
    pl.kernel,
    out_type=(jax.ShapeDtypeStruct((2, N_PAD, DH), jnp.float32),
              jax.ShapeDtypeStruct((NSUB, N_PAD), jnp.float32)),
    mesh=_MESH,
    compiler_params=pltpu.CompilerParams(needs_layout_passes=False),
    scratch_types=[
        pltpu.VMEM((4, 2, CHUNK), jnp.int32),
        pltpu.VMEM((CHUNK, DH), jnp.float32),
        pltpu.VMEM((CHUNK, DH), jnp.float32),
        pltpu.VMEM((N_PAD,), jnp.float32),
        pltpu.VMEM_SHARED((N_PAD, DH), jnp.float32),
        pltpu.SemaphoreType.DMA,
        pltpu.SemaphoreType.DMA,
        pltpu.SemaphoreType.DMA,
        pltpu.SemaphoreType.DMA,
        pltpu.SemaphoreType.DMA,
        pltpu.SemaphoreType.DMA,
        pltpu.SemaphoreType.DMA,
        pltpu.SemaphoreType.DMA,
    ],
)
def _segsum(tables_hbm, idx2_hbm, zr_hbm, zc_hbm, out_hbm, c16_hbm,
            idx_v, rows0, rows1, cnt_v, acc_sh,
            ga, gb, sa, sb, i0, i1, i2, i3):
    ci = lax.axis_index("c")
    si = lax.axis_index("s")
    ones16 = jnp.ones((16,), jnp.float32)
    rows = [rows0, rows1]
    gsem = [ga, gb]
    ssem = [sa, sb]
    isem = [i0, i1, i2, i3]

    def idx_copy(c, slot):
        pltpu.async_copy(idx2_hbm.at[ci, si, c], idx_v.at[slot], isem[slot])

    def idx_wait(c, slot):
        pltpu.make_async_copy(idx2_hbm.at[ci, si, c], idx_v.at[slot],
                              isem[slot]).wait()

    def gather(slot, b):
        pltpu.async_copy(tables_hbm.at[idx_v.at[slot, 0]], rows[b], gsem[b])

    def gather_wait(slot, b):
        pltpu.make_async_copy(tables_hbm.at[idx_v.at[slot, 0]], rows[b],
                              gsem[b]).wait()

    for slot in range(4):
        idx_copy(slot, slot)
    pz = pltpu.async_copy(zr_hbm, rows0, ga)
    for k in range(N_PAD // 2048):
        pltpu.async_copy(zc_hbm, cnt_v.at[pl.ds(k * 2048, 2048)], gb)
    pz.wait()
    for k in range(N_PAD // 2048):
        pltpu.make_async_copy(zc_hbm, cnt_v.at[pl.ds(k * 2048, 2048)], gb).wait()

    @pl.loop(0, ROWS_PER_SUB // CHUNK)
    def _(k):
        pltpu.sync_copy(rows0, acc_sh.at[pl.ds(si * ROWS_PER_SUB + k * CHUNK, CHUNK)])

    for b in range(2):
        idx_wait(b, b)
        gather(b, b)
    plsc.subcore_barrier()

    @pl.loop(0, NGRP)
    def _(g):
        c0 = g * 4
        for half in range(2):
            scats = []
            for b in range(2):
                slot = 2 * half + b
                c = c0 + slot
                gather_wait(slot, b)
                scats.append(pltpu.async_copy(rows[b], acc_sh.at[idx_v.at[slot, 1]],
                                              ssem[b], add=True))

                @pl.loop(0, CHUNK // 16)
                def _(j):
                    idx16 = idx_v[slot, 1, pl.ds(j * 16, 16)]
                    plsc.addupdate_scatter(cnt_v, [idx16], ones16)

            for b in range(2):
                slot = 2 * half + b
                nslot = (slot + 2) % 4
                scats[b].wait()
                idx_copy((c0 + slot + 4) % CH_PER_SUB, slot)
                idx_wait((c0 + slot + 2) % CH_PER_SUB, nslot)
                gather(nslot, b)

    for b in range(2):
        gather_wait(b, b)
        idx_wait((b + 2) % 4, (b + 2) % 4)

    @pl.when(ci == 0)
    def _():
        pltpu.sync_copy(cnt_v, c16_hbm.at[si])

    plsc.subcore_barrier()
    pltpu.sync_copy(acc_sh.at[pl.ds(si * ROWS_PER_SUB, ROWS_PER_SUB)],
                    out_hbm.at[ci, pl.ds(si * ROWS_PER_SUB, ROWS_PER_SUB)])


BLK = 1024


def _tc_body(sums_ref, c16_ref, x_ref, wl_ref, wr_ref, b_ref, out_ref):
    s0 = sums_ref[0]
    s1 = sums_ref[1]
    cnt = jnp.sum(c16_ref[...], axis=0, keepdims=True)
    inv = (1.0 / jnp.maximum(cnt, 1.0)).reshape(BLK, 1)
    agg = jnp.concatenate([s0, s1], axis=1) * inv
    acc = jnp.dot(agg, wl_ref[...], preferred_element_type=jnp.float32)
    acc = acc + jnp.dot(x_ref[...], wr_ref[...], preferred_element_type=jnp.float32)
    out_ref[...] = acc + b_ref[...]


def kernel(x, edge_index, W_l, W_r, b):
    x = x.astype(jnp.float32)
    src = edge_index[0].astype(jnp.int32)
    dst = edge_index[1].astype(jnp.int32)

    tables = x.reshape(2 * N, DH)
    src_p = jnp.concatenate([src, jnp.zeros((E_PAD - E,), jnp.int32)])
    dst_p = jnp.concatenate([dst, jnp.full((E_PAD - E,), TRASH, jnp.int32)])
    src2 = jnp.stack([2 * src_p, 2 * src_p + 1])
    dst2 = jnp.broadcast_to(dst_p, (2, E_PAD))
    idx2 = jnp.stack([src2, dst2], axis=1)
    idx2 = idx2.reshape(2, 2, NSUB, CH_PER_SUB, CHUNK).transpose(0, 2, 3, 1, 4)
    zr = jnp.zeros((CHUNK, DH), jnp.float32)
    zc = jnp.zeros((2048,), jnp.float32)

    sums, counts16 = _segsum(tables, idx2, zr, zc)

    return pl.pallas_call(
        _tc_body,
        grid=(pl.cdiv(N, BLK),),
        in_specs=[
            pl.BlockSpec((2, BLK, DH), lambda i: (0, i, 0)),
            pl.BlockSpec((NSUB, BLK), lambda i: (0, i)),
            pl.BlockSpec((BLK, D), lambda i: (i, 0)),
            pl.BlockSpec((D, D), lambda i: (0, 0)),
            pl.BlockSpec((D, D), lambda i: (0, 0)),
            pl.BlockSpec((1, D), lambda i: (0, 0)),
        ],
        out_specs=pl.BlockSpec((BLK, D), lambda i: (i, 0)),
        out_shape=jax.ShapeDtypeStruct((N, D), jnp.float32),
    )(sums, counts16, x, W_l, W_r, b.reshape(1, D))

# --- scband reference (transcript-rebuilt; emitter-appended) ---
"""Pipeline reference for scband-graph-block-4930622456031 (READ-ONLY COPY).

The authoritative reference and input builder live on the scoring server;
editing this copy changes nothing except your own understanding.
"""

import jax, jax.numpy as jnp
import numpy as np

N = 10000
E = 160000
D_IN = 256
D_OUT = 256


def setup_inputs(seed: int = 0) -> dict:
    key = jax.random.key(seed)
    k1, k2, k3, k4 = jax.random.split(key, 4)
    x = jax.random.normal(k1, (N, D_IN), dtype=jnp.float32)
    edge_index = jax.random.randint(k2, (2, E), 0, N, dtype=jnp.int32)
    # SAGEConv parameters: lin_l applied to aggregated neighbor features,
    # lin_r applied to root/self features (root_weight=True default in PyG).
    scale_l = 1.0 / np.sqrt(D_IN)
    W_l = jax.random.uniform(k3, (D_IN, D_OUT), dtype=jnp.float32, minval=-scale_l, maxval=scale_l)
    W_r = jax.random.uniform(k4, (D_IN, D_OUT), dtype=jnp.float32, minval=-scale_l, maxval=scale_l)
    b = jnp.zeros((D_OUT,), dtype=jnp.float32)
    return {"x": x, "edge_index": edge_index, "W_l": W_l, "W_r": W_r, "b": b}


def reference(x, edge_index, W_l, W_r, b):
    # PyG SAGEConv with default mean aggregation:
    # out = lin_l(mean_{j in N(i)} x_j) + lin_r(x_i)
    src = edge_index[0]
    dst = edge_index[1]
    msgs = jnp.take(x, src, axis=0)                                   # gather [E, D_IN]
    agg = jax.ops.segment_sum(msgs, dst, num_segments=N)              # scatter-add [N, D_IN]
    counts = jax.ops.segment_sum(jnp.ones((E,), dtype=x.dtype), dst, num_segments=N)
    agg = agg / jnp.clip(counts, 1.0, None)[:, None]                  # mean aggregation
    out = agg @ W_l + x @ W_r + b
    return out

if __name__ == "__main__":
    import jax
    _d = setup_inputs()
    print(jax.jit(kernel)(*tuple(_d.values())))

</pallas_src>

<mosaic_0001>
#map = affine_map<(d0, d1) -> (0, 0)>
#map1 = affine_map<(d0, d1) -> (0, 0, 0, 0, 0)>
#map2 = affine_map<(d0, d1) -> (0)>
#map3 = affine_map<(d0, d1) -> (0, 0, 0)>
module attributes {stable_mosaic.version = 14 : i64} {
  func.func @_segsum(%arg0: i32, %arg1: i32, %arg2: memref<20000x128xf32, #tpu.memory_space<hbm>>, %arg3: memref<2x16x80x2x128xi32, #tpu.memory_space<hbm>>, %arg4: memref<128x128xf32, #tpu.memory_space<hbm>>, %arg5: memref<2048xf32, #tpu.memory_space<hbm>>, %arg6: memref<2x10240x128xf32, #tpu.memory_space<hbm>>, %arg7: memref<16x10240xf32, #tpu.memory_space<hbm>>, %arg8: memref<4x2x128xi32, #tpu.memory_space<vmem>>, %arg9: memref<128x128xf32, #tpu.memory_space<vmem>>, %arg10: memref<128x128xf32, #tpu.memory_space<vmem>>, %arg11: memref<10240xf32, #tpu.memory_space<vmem>>, %arg12: memref<10240x128xf32, #tpu.memory_space<vmem_shared>>, %arg13: memref<!tpu.dma_semaphore, #tpu.memory_space<semaphore_mem>>, %arg14: memref<!tpu.dma_semaphore, #tpu.memory_space<semaphore_mem>>, %arg15: memref<!tpu.dma_semaphore, #tpu.memory_space<semaphore_mem>>, %arg16: memref<!tpu.dma_semaphore, #tpu.memory_space<semaphore_mem>>, %arg17: memref<!tpu.dma_semaphore, #tpu.memory_space<semaphore_mem>>, %arg18: memref<!tpu.dma_semaphore, #tpu.memory_space<semaphore_mem>>, %arg19: memref<!tpu.dma_semaphore, #tpu.memory_space<semaphore_mem>>, %arg20: memref<!tpu.dma_semaphore, #tpu.memory_space<semaphore_mem>>) attributes {dimension_semantics = [#tpu.dimension_semantics<core_parallel>, #tpu.dimension_semantics<subcore_parallel>], iteration_bounds = array<i64: 2, 16>, scalar_prefetch = 0 : i64, scratch_operands = 13 : i64, tpu.core_type = #tpu.core_type<sc_vector_subcore>, window_params = [{transform_indices = #map}, {transform_indices = #map1}, {transform_indices = #map}, {transform_indices = #map2}, {transform_indices = #map3}, {transform_indices = #map}]} {
    %broadcast_in_dim3A = arith.constant 1.000000e+00 : f32
    %broadcast_in_dim3A_0 = vector.broadcast %broadcast_in_dim3A : f32 to vector<16xf32>
    %dma_start3A = arith.constant 0 : i32
    %dma_start3A_1 = arith.constant 0 : i32
    %dma_start3A_2 = arith.constant 0 : i32
    %dma_start3A_3 = arith.constant 0 : i32
    %dma_start3A_4 = tpu.memref_slice %arg8[%dma_start3A_1, %dma_start3A_2, %dma_start3A_3] : memref<4x2x128xi32, #tpu.memory_space<vmem>> -> memref<1x2x128xi32, #tpu.memory_space<vmem>>
    %dma_start3A_5 = tpu.memref_squeeze %dma_start3A_4 : memref<1x2x128xi32, #tpu.memory_space<vmem>> -> memref<2x128xi32, #tpu.memory_space<vmem>>
    %dma_start3A_6 = arith.constant 0 : i32
    %dma_start3A_7 = arith.constant 0 : i32
    %dma_start3A_8 = tpu.memref_slice %arg3[%arg0, %arg1, %dma_start3A, %dma_start3A_6, %dma_start3A_7] : memref<2x16x80x2x128xi32, #tpu.memory_space<hbm>> -> memref<1x1x1x2x128xi32, #tpu.memory_space<hbm>>
    %dma_start3A_9 = tpu.memref_squeeze %dma_start3A_8 : memref<1x1x1x2x128xi32, #tpu.memory_space<hbm>> -> memref<2x128xi32, #tpu.memory_space<hbm>>
    %dma_start3A_10 = arith.constant 0 : i32
    %dma_start3A_11 = arith.constant 0 : i32
    %dma_start3A_12 = tpu.memref_slice %arg8[%dma_start3A_1, %dma_start3A_10, %dma_start3A_11] : memref<4x2x128xi32, #tpu.memory_space<vmem>> -> memref<1x2x128xi32, #tpu.memory_space<vmem>>
    %dma_start3A_13 = tpu.memref_squeeze %dma_start3A_12 : memref<1x2x128xi32, #tpu.memory_space<vmem>> -> memref<2x128xi32, #tpu.memory_space<vmem>>
    %dma_start3A_14 = arith.constant 0 : i32
    %dma_start3A_15 = arith.constant 0 : i32
    %dma_start3A_16 = tpu.memref_slice %arg3[%arg0, %arg1, %dma_start3A, %dma_start3A_14, %dma_start3A_15] : memref<2x16x80x2x128xi32, #tpu.memory_space<hbm>> -> memref<1x1x1x2x128xi32, #tpu.memory_space<hbm>>
    %dma_start3A_17 = tpu.memref_squeeze %dma_start3A_16 : memref<1x1x1x2x128xi32, #tpu.memory_space<hbm>> -> memref<2x128xi32, #tpu.memory_space<hbm>>
    tpu.enqueue_dma source(%dma_start3A_17 : memref<2x128xi32, #tpu.memory_space<hbm>>) target(%dma_start3A_13 : memref<2x128xi32, #tpu.memory_space<vmem>>) target_semaphore(%arg17 : memref<!tpu.dma_semaphore, #tpu.memory_space<semaphore_mem>>)
    %dma_start3A_18 = arith.constant 1 : i32
    %dma_start3A_19 = arith.constant 1 : i32
    %dma_start3A_20 = arith.constant 0 : i32
    %dma_start3A_21 = arith.constant 0 : i32
    %dma_start3A_22 = tpu.memref_slice %arg8[%dma_start3A_19, %dma_start3A_20, %dma_start3A_21] : memref<4x2x128xi32, #tpu.memory_space<vmem>> -> memref<1x2x128xi32, #tpu.memory_space<vmem>>
    %dma_start3A_23 = tpu.memref_squeeze %dma_start3A_22 : memref<1x2x128xi32, #tpu.memory_space<vmem>> -> memref<2x128xi32, #tpu.memory_space<vmem>>
    %dma_start3A_24 = arith.constant 0 : i32
    %dma_start3A_25 = arith.constant 0 : i32
    %dma_start3A_26 = tpu.memref_slice %arg3[%arg0, %arg1, %dma_start3A_18, %dma_start3A_24, %dma_start3A_25] : memref<2x16x80x2x128xi32, #tpu.memory_space<hbm>> -> memref<1x1x1x2x128xi32, #tpu.memory_space<hbm>>
    %dma_start3A_27 = tpu.memref_squeeze %dma_start3A_26 : memref<1x1x1x2x128xi32, #tpu.memory_space<hbm>> -> memref<2x128xi32, #tpu.memory_space<hbm>>
    %dma_start3A_28 = arith.constant 0 : i32
    %dma_start3A_29 = arith.constant 0 : i32
    %dma_start3A_30 = tpu.memref_slice %arg8[%dma_start3A_19, %dma_start3A_28, %dma_start3A_29] : memref<4x2x128xi32, #tpu.memory_space<vmem>> -> memref<1x2x128xi32, #tpu.memory_space<vmem>>
    %dma_start3A_31 = tpu.memref_squeeze %dma_start3A_30 : memref<1x2x128xi32, #tpu.memory_space<vmem>> -> memref<2x128xi32, #tpu.memory_space<vmem>>
    %dma_start3A_32 = arith.constant 0 : i32
    %dma_start3A_33 = arith.constant 0 : i32
    %dma_start3A_34 = tpu.memref_slice %arg3[%arg0, %arg1, %dma_start3A_18, %dma_start3A_32, %dma_start3A_33] : memref<2x16x80x2x128xi32, #tpu.memory_space<hbm>> -> memref<1x1x1x2x128xi32, #tpu.memory_space<hbm>>
    %dma_start3A_35 = tpu.memref_squeeze %dma_start3A_34 : memref<1x1x1x2x128xi32, #tpu.memory_space<hbm>> -> memref<2x128xi32, #tpu.memory_space<hbm>>
    tpu.enqueue_dma source(%dma_start3A_35 : memref<2x128xi32, #tpu.memory_space<hbm>>) target(%dma_start3A_31 : memref<2x128xi32, #tpu.memory_space<vmem>>) target_semaphore(%arg18 : memref<!tpu.dma_semaphore, #tpu.memory_space<semaphore_mem>>)
    %dma_start3A_36 = arith.constant 2 : i32
    %dma_start3A_37 = arith.constant 2 : i32
    %dma_start3A_38 = arith.constant 0 : i32
    %dma_start3A_39 = arith.constant 0 : i32
    %dma_start3A_40 = tpu.memref_slice %arg8[%dma_start3A_37, %dma_start3A_38, %dma_start3A_39] : memref<4x2x128xi32, #tpu.memory_space<vmem>> -> memref<1x2x128xi32, #tpu.memory_space<vmem>>
    %dma_start3A_41 = tpu.memref_squeeze %dma_start3A_40 : memref<1x2x128xi32, #tpu.memory_space<vmem>> -> memref<2x128xi32, #tpu.memory_space<vmem>>
    %dma_start3A_42 = arith.constant 0 : i32
    %dma_start3A_43 = arith.constant 0 : i32
    %dma_start3A_44 = tpu.memref_slice %arg3[%arg0, %arg1, %dma_start3A_36, %dma_start3A_42, %dma_start3A_43] : memref<2x16x80x2x128xi32, #tpu.memory_space<hbm>> -> memref<1x1x1x2x128xi32, #tpu.memory_space<hbm>>
    %dma_start3A_45 = tpu.memref_squeeze %dma_start3A_44 : memref<1x1x1x2x128xi32, #tpu.memory_space<hbm>> -> memref<2x128xi32, #tpu.memory_space<hbm>>
    %dma_start3A_46 = arith.constant 0 : i32
    %dma_start3A_47 = arith.constant 0 : i32
    %dma_start3A_48 = tpu.memref_slice %arg8[%dma_start3A_37, %dma_start3A_46, %dma_start3A_47] : memref<4x2x128xi32, #tpu.memory_space<vmem>> -> memref<1x2x128xi32, #tpu.memory_space<vmem>>
    %dma_start3A_49 = tpu.memref_squeeze %dma_start3A_48 : memref<1x2x128xi32, #tpu.memory_space<vmem>> -> memref<2x128xi32, #tpu.memory_space<vmem>>
    %dma_start3A_50 = arith.constant 0 : i32
    %dma_start3A_51 = arith.constant 0 : i32
    %dma_start3A_52 = tpu.memref_slice %arg3[%arg0, %arg1, %dma_start3A_36, %dma_start3A_50, %dma_start3A_51] : memref<2x16x80x2x128xi32, #tpu.memory_space<hbm>> -> memref<1x1x1x2x128xi32, #tpu.memory_space<hbm>>
    %dma_start3A_53 = tpu.memref_squeeze %dma_start3A_52 : memref<1x1x1x2x128xi32, #tpu.memory_space<hbm>> -> memref<2x128xi32, #tpu.memory_space<hbm>>
    tpu.enqueue_dma source(%dma_start3A_53 : memref<2x128xi32, #tpu.memory_space<hbm>>) target(%dma_start3A_49 : memref<2x128xi32, #tpu.memory_space<vmem>>) target_semaphore(%arg19 : memref<!tpu.dma_semaphore, #tpu.memory_space<semaphore_mem>>)
    %dma_start3A_54 = arith.constant 3 : i32
    %dma_start3A_55 = arith.constant 3 : i32
    %dma_start3A_56 = arith.constant 0 : i32
    %dma_start3A_57 = arith.constant 0 : i32
    %dma_start3A_58 = tpu.memref_slice %arg8[%dma_start3A_55, %dma_start3A_56, %dma_start3A_57] : memref<4x2x128xi32, #tpu.memory_space<vmem>> -> memref<1x2x128xi32, #tpu.memory_space<vmem>>
    %dma_start3A_59 = tpu.memref_squeeze %dma_start3A_58 : memref<1x2x128xi32, #tpu.memory_space<vmem>> -> memref<2x128xi32, #tpu.memory_space<vmem>>
    %dma_start3A_60 = arith.constant 0 : i32
    %dma_start3A_61 = arith.constant 0 : i32
    %dma_start3A_62 = tpu.memref_slice %arg3[%arg0, %arg1, %dma_start3A_54, %dma_start3A_60, %dma_start3A_61] : memref<2x16x80x2x128xi32, #tpu.memory_space<hbm>> -> memref<1x1x1x2x128xi32, #tpu.memory_space<hbm>>
    %dma_start3A_63 = tpu.memref_squeeze %dma_start3A_62 : memref<1x1x1x2x128xi32, #tpu.memory_space<hbm>> -> memref<2x128xi32, #tpu.memory_space<hbm>>
    %dma_start3A_64 = arith.constant 0 : i32
    %dma_start3A_65 = arith.constant 0 : i32
    %dma_start3A_66 = tpu.memref_slice %arg8[%dma_start3A_55, %dma_start3A_64, %dma_start3A_65] : memref<4x2x128xi32, #tpu.memory_space<vmem>> -> memref<1x2x128xi32, #tpu.memory_space<vmem>>
    %dma_start3A_67 = tpu.memref_squeeze %dma_start3A_66 : memref<1x2x128xi32, #tpu.memory_space<vmem>> -> memref<2x128xi32, #tpu.memory_space<vmem>>
    %dma_start3A_68 = arith.constant 0 : i32
    %dma_start3A_69 = arith.constant 0 : i32
    %dma_start3A_70 = tpu.memref_slice %arg3[%arg0, %arg1, %dma_start3A_54, %dma_start3A_68, %dma_start3A_69] : memref<2x16x80x2x128xi32, #tpu.memory_space<hbm>> -> memref<1x1x1x2x128xi32, #tpu.memory_space<hbm>>
    %dma_start3A_71 = tpu.memref_squeeze %dma_start3A_70 : memref<1x1x1x2x128xi32, #tpu.memory_space<hbm>> -> memref<2x128xi32, #tpu.memory_space<hbm>>
    tpu.enqueue_dma source(%dma_start3A_71 : memref<2x128xi32, #tpu.memory_space<hbm>>) target(%dma_start3A_67 : memref<2x128xi32, #tpu.memory_space<vmem>>) target_semaphore(%arg20 : memref<!tpu.dma_semaphore, #tpu.memory_space<semaphore_mem>>)
    tpu.enqueue_dma source(%arg4 : memref<128x128xf32, #tpu.memory_space<hbm>>) target(%arg9 : memref<128x128xf32, #tpu.memory_space<vmem>>) target_semaphore(%arg13 : memref<!tpu.dma_semaphore, #tpu.memory_space<semaphore_mem>>)
    %dma_start3A_72 = arith.constant 0 : i32
    %dma_start3A_73 = tpu.memref_slice %arg11[%dma_start3A_72] : memref<10240xf32, #tpu.memory_space<vmem>> -> memref<2048xf32, #tpu.memory_space<vmem>>
    %dma_start3A_74 = arith.constant 0 : i32
    %dma_start3A_75 = tpu.memref_slice %arg11[%dma_start3A_74] : memref<10240xf32, #tpu.memory_space<vmem>> -> memref<2048xf32, #tpu.memory_space<vmem>>
    tpu.enqueue_dma source(%arg5 : memref<2048xf32, #tpu.memory_space<hbm>>) target(%dma_start3A_75 : memref<2048xf32, #tpu.memory_space<vmem>>) target_semaphore(%arg14 : memref<!tpu.dma_semaphore, #tpu.memory_space<semaphore_mem>>)
    %dma_start3A_76 = arith.constant 2048 : i32
    %dma_start3A_77 = tpu.memref_slice %arg11[%dma_start3A_76] : memref<10240xf32, #tpu.memory_space<vmem>> -> memref<2048xf32, #tpu.memory_space<vmem>>
    %dma_start3A_78 = arith.constant 2048 : i32
    %dma_start3A_79 = tpu.memref_slice %arg11[%dma_start3A_78] : memref<10240xf32, #tpu.memory_space<vmem>> -> memref<2048xf32, #tpu.memory_space<vmem>>
    tpu.enqueue_dma source(%arg5 : memref<2048xf32, #tpu.memory_space<hbm>>) target(%dma_start3A_79 : memref<2048xf32, #tpu.memory_space<vmem>>) target_semaphore(%arg14 : memref<!tpu.dma_semaphore, #tpu.memory_space<semaphore_mem>>)
    %dma_start3A_80 = arith.constant 4096 : i32
    %dma_start3A_81 = tpu.memref_slice %arg11[%dma_start3A_80] : memref<10240xf32, #tpu.memory_space<vmem>> -> memref<2048xf32, #tpu.memory_space<vmem>>
    %dma_start3A_82 = arith.constant 4096 : i32
    %dma_start3A_83 = tpu.memref_slice %arg11[%dma_start3A_82] : memref<10240xf32, #tpu.memory_space<vmem>> -> memref<2048xf32, #tpu.memory_space<vmem>>
    tpu.enqueue_dma source(%arg5 : memref<2048xf32, #tpu.memory_space<hbm>>) target(%dma_start3A_83 : memref<2048xf32, #tpu.memory_space<vmem>>) target_semaphore(%arg14 : memref<!tpu.dma_semaphore, #tpu.memory_space<semaphore_mem>>)
    %dma_start3A_84 = arith.constant 6144 : i32
    %dma_start3A_85 = tpu.memref_slice %arg11[%dma_start3A_84] : memref<10240xf32, #tpu.memory_space<vmem>> -> memref<2048xf32, #tpu.memory_space<vmem>>
    %dma_start3A_86 = arith.constant 6144 : i32
    %dma_start3A_87 = tpu.memref_slice %arg11[%dma_start3A_86] : memref<10240xf32, #tpu.memory_space<vmem>> -> memref<2048xf32, #tpu.memory_space<vmem>>
    tpu.enqueue_dma source(%arg5 : memref<2048xf32, #tpu.memory_space<hbm>>) target(%dma_start3A_87 : memref<2048xf32, #tpu.memory_space<vmem>>) target_semaphore(%arg14 : memref<!tpu.dma_semaphore, #tpu.memory_space<semaphore_mem>>)
    %dma_start3A_88 = arith.constant 8192 : i32
    %dma_start3A_89 = tpu.memref_slice %arg11[%dma_start3A_88] : memref<10240xf32, #tpu.memory_space<vmem>> -> memref<2048xf32, #tpu.memory_space<vmem>>
    %dma_start3A_90 = arith.constant 8192 : i32
    %dma_start3A_91 = tpu.memref_slice %arg11[%dma_start3A_90] : memref<10240xf32, #tpu.memory_space<vmem>> -> memref<2048xf32, #tpu.memory_space<vmem>>
    tpu.enqueue_dma source(%arg5 : memref<2048xf32, #tpu.memory_space<hbm>>) target(%dma_start3A_91 : memref<2048xf32, #tpu.memory_space<vmem>>) target_semaphore(%arg14 : memref<!tpu.dma_semaphore, #tpu.memory_space<semaphore_mem>>)
    tpu.wait_dma2 semaphore(%arg13 : memref<!tpu.dma_semaphore, #tpu.memory_space<semaphore_mem>>) src(%arg4 : memref<128x128xf32, #tpu.memory_space<hbm>>) dst(%arg9 : memref<128x128xf32, #tpu.memory_space<vmem>>)
    %dma_wait3A = arith.constant 0 : i32
    %dma_wait3A_92 = tpu.memref_slice %arg11[%dma_wait3A] : memref<10240xf32, #tpu.memory_space<vmem>> -> memref<2048xf32, #tpu.memory_space<vmem>>
    %dma_wait3A_93 = arith.constant 0 : i32
    %dma_wait3A_94 = tpu.memref_slice %arg11[%dma_wait3A_93] : memref<10240xf32, #tpu.memory_space<vmem>> -> memref<2048xf32, #tpu.memory_space<vmem>>
    tpu.wait_dma2 semaphore(%arg14 : memref<!tpu.dma_semaphore, #tpu.memory_space<semaphore_mem>>) src(%arg5 : memref<2048xf32, #tpu.memory_space<hbm>>) dst(%dma_wait3A_94 : memref<2048xf32, #tpu.memory_space<vmem>>)
    %dma_wait3A_95 = arith.constant 2048 : i32
    %dma_wait3A_96 = tpu.memref_slice %arg11[%dma_wait3A_95] : memref<10240xf32, #tpu.memory_space<vmem>> -> memref<2048xf32, #tpu.memory_space<vmem>>
    %dma_wait3A_97 = arith.constant 2048 : i32
    %dma_wait3A_98 = tpu.memref_slice %arg11[%dma_wait3A_97] : memref<10240xf32, #tpu.memory_space<vmem>> -> memref<2048xf32, #tpu.memory_space<vmem>>
    tpu.wait_dma2 semaphore(%arg14 : memref<!tpu.dma_semaphore, #tpu.memory_space<semaphore_mem>>) src(%arg5 : memref<2048xf32, #tpu.memory_space<hbm>>) dst(%dma_wait3A_98 : memref<2048xf32, #tpu.memory_space<vmem>>)
    %dma_wait3A_99 = arith.constant 4096 : i32
    %dma_wait3A_100 = tpu.memref_slice %arg11[%dma_wait3A_99] : memref<10240xf32, #tpu.memory_space<vmem>> -> memref<2048xf32, #tpu.memory_space<vmem>>
    %dma_wait3A_101 = arith.constant 4096 : i32
    %dma_wait3A_102 = tpu.memref_slice %arg11[%dma_wait3A_101] : memref<10240xf32, #tpu.memory_space<vmem>> -> memref<2048xf32, #tpu.memory_space<vmem>>
    tpu.wait_dma2 semaphore(%arg14 : memref<!tpu.dma_semaphore, #tpu.memory_space<semaphore_mem>>) src(%arg5 : memref<2048xf32, #tpu.memory_space<hbm>>) dst(%dma_wait3A_102 : memref<2048xf32, #tpu.memory_space<vmem>>)
    %dma_wait3A_103 = arith.constant 6144 : i32
    %dma_wait3A_104 = tpu.memref_slice %arg11[%dma_wait3A_103] : memref<10240xf32, #tpu.memory_space<vmem>> -> memref<2048xf32, #tpu.memory_space<vmem>>
    %dma_wait3A_105 = arith.constant 6144 : i32
    %dma_wait3A_106 = tpu.memref_slice %arg11[%dma_wait3A_105] : memref<10240xf32, #tpu.memory_space<vmem>> -> memref<2048xf32, #tpu.memory_space<vmem>>
    tpu.wait_dma2 semaphore(%arg14 : memref<!tpu.dma_semaphore, #tpu.memory_space<semaphore_mem>>) src(%arg5 : memref<2048xf32, #tpu.memory_space<hbm>>) dst(%dma_wait3A_106 : memref<2048xf32, #tpu.memory_space<vmem>>)
    %dma_wait3A_107 = arith.constant 8192 : i32
    %dma_wait3A_108 = tpu.memref_slice %arg11[%dma_wait3A_107] : memref<10240xf32, #tpu.memory_space<vmem>> -> memref<2048xf32, #tpu.memory_space<vmem>>
    %dma_wait3A_109 = arith.constant 8192 : i32
    %dma_wait3A_110 = tpu.memref_slice %arg11[%dma_wait3A_109] : memref<10240xf32, #tpu.memory_space<vmem>> -> memref<2048xf32, #tpu.memory_space<vmem>>
    tpu.wait_dma2 semaphore(%arg14 : memref<!tpu.dma_semaphore, #tpu.memory_space<semaphore_mem>>) src(%arg5 : memref<2048xf32, #tpu.memory_space<hbm>>) dst(%dma_wait3A_110 : memref<2048xf32, #tpu.memory_space<vmem>>)
    %scan3A = arith.constant 0 : i32
    %scan3A_111 = arith.constant 5 : i32
    %scan3A_112 = arith.addi %scan3A, %scan3A_111 : i32
    %scan3A_113 = arith.constant 1 : i32
    scf.for %scan3A_230 = %scan3A to %scan3A_112 step %scan3A_113  : i32 {
      %mul3A_231 = arith.constant 1 : i32
      %mul3A_232 = arith.muli %scan3A_230, %mul3A_231 : i32
      %add3A = arith.constant 0 : i32
      %add3A_233 = arith.addi %add3A, %mul3A_232 : i32
      %mul3A_234 = arith.constant 640 : i32
      %mul3A_235 = arith.muli %arg1, %mul3A_234 : i32
      %mul3A_236 = arith.constant 128 : i32
      %mul3A_237 = arith.muli %add3A_233, %mul3A_236 : i32
      %add3A_238 = arith.addi %mul3A_235, %mul3A_237 : i32
      "tpu.region"() ({
        %run_scoped3A = tpu.sem_alloc : memref<!tpu.dma_semaphore, #tpu.memory_space<semaphore_mem>>
        %dma_start3A_239 = arith.constant 0 : i32
        %dma_start3A_240 = tpu.memref_slice %arg12[%add3A_238, %dma_start3A_239] : memref<10240x128xf32, #tpu.memory_space<vmem_shared>> -> memref<128x128xf32, #tpu.memory_space<vmem_shared>>
        %dma_start3A_241 = arith.constant 0 : i32
        %dma_start3A_242 = tpu.memref_slice %arg12[%add3A_238, %dma_start3A_241] : memref<10240x128xf32, #tpu.memory_space<vmem_shared>> -> memref<128x128xf32, #tpu.memory_space<vmem_shared>>
        tpu.enqueue_dma source(%arg9 : memref<128x128xf32, #tpu.memory_space<vmem>>) target(%dma_start3A_242 : memref<128x128xf32, #tpu.memory_space<vmem_shared>>) target_semaphore(%run_scoped3A : memref<!tpu.dma_semaphore, #tpu.memory_space<semaphore_mem>>)
        %dma_wait3A_243 = arith.constant 0 : i32
        %dma_wait3A_244 = tpu.memref_slice %arg12[%add3A_238, %dma_wait3A_243] : memref<10240x128xf32, #tpu.memory_space<vmem_shared>> -> memref<128x128xf32, #tpu.memory_space<vmem_shared>>
        %dma_wait3A_245 = arith.constant 0 : i32
        %dma_wait3A_246 = tpu.memref_slice %arg12[%add3A_238, %dma_wait3A_245] : memref<10240x128xf32, #tpu.memory_space<vmem_shared>> -> memref<128x128xf32, #tpu.memory_space<vmem_shared>>
        tpu.wait_dma2 semaphore(%run_scoped3A : memref<!tpu.dma_semaphore, #tpu.memory_space<semaphore_mem>>) src(%arg9 : memref<128x128xf32, #tpu.memory_space<vmem>>) dst(%dma_wait3A_246 : memref<128x128xf32, #tpu.memory_space<vmem_shared>>)
        tpu.yield
      }) : () -> ()
    }
    %scan3A_114 = arith.constant 5 : i32
    %dma_wait3A_115 = arith.constant 0 : i32
    %dma_wait3A_116 = arith.constant 0 : i32
    %dma_wait3A_117 = arith.constant 0 : i32
    %dma_wait3A_118 = arith.constant 0 : i32
    %dma_wait3A_119 = tpu.memref_slice %arg8[%dma_wait3A_116, %dma_wait3A_117, %dma_wait3A_118] : memref<4x2x128xi32, #tpu.memory_space<vmem>> -> memref<1x2x128xi32, #tpu.memory_space<vmem>>
    %dma_wait3A_120 = tpu.memref_squeeze %dma_wait3A_119 : memref<1x2x128xi32, #tpu.memory_space<vmem>> -> memref<2x128xi32, #tpu.memory_space<vmem>>
    %dma_wait3A_121 = arith.constant 0 : i32
    %dma_wait3A_122 = arith.constant 0 : i32
    %dma_wait3A_123 = tpu.memref_slice %arg3[%arg0, %arg1, %dma_wait3A_115, %dma_wait3A_121, %dma_wait3A_122] : memref<2x16x80x2x128xi32, #tpu.memory_space<hbm>> -> memref<1x1x1x2x128xi32, #tpu.memory_space<hbm>>
    %dma_wait3A_124 = tpu.memref_squeeze %dma_wait3A_123 : memref<1x1x1x2x128xi32, #tpu.memory_space<hbm>> -> memref<2x128xi32, #tpu.memory_space<hbm>>
    %dma_wait3A_125 = arith.constant 0 : i32
    %dma_wait3A_126 = arith.constant 0 : i32
    %dma_wait3A_127 = tpu.memref_slice %arg8[%dma_wait3A_116, %dma_wait3A_125, %dma_wait3A_126] : memref<4x2x128xi32, #tpu.memory_space<vmem>> -> memref<1x2x128xi32, #tpu.memory_space<vmem>>
    %dma_wait3A_128 = tpu.memref_squeeze %dma_wait3A_127 : memref<1x2x128xi32, #tpu.memory_space<vmem>> -> memref<2x128xi32, #tpu.memory_space<vmem>>
    %dma_wait3A_129 = arith.constant 0 : i32
    %dma_wait3A_130 = arith.constant 0 : i32
    %dma_wait3A_131 = tpu.memref_slice %arg3[%arg0, %arg1, %dma_wait3A_115, %dma_wait3A_129, %dma_wait3A_130] : memref<2x16x80x2x128xi32, #tpu.memory_space<hbm>> -> memref<1x1x1x2x128xi32, #tpu.memory_space<hbm>>
    %dma_wait3A_132 = tpu.memref_squeeze %dma_wait3A_131 : memref<1x1x1x2x128xi32, #tpu.memory_space<hbm>> -> memref<2x128xi32, #tpu.memory_space<hbm>>
    tpu.wait_dma2 semaphore(%arg17 : memref<!tpu.dma_semaphore, #tpu.memory_space<semaphore_mem>>) src(%dma_wait3A_132 : memref<2x128xi32, #tpu.memory_space<hbm>>) dst(%dma_wait3A_128 : memref<2x128xi32, #tpu.memory_space<vmem>>)
    %dma_start3A_133 = arith.constant 0 : i32
    %dma_start3A_134 = arith.constant 0 : i32
    %dma_start3A_135 = arith.constant 0 : i32
    %dma_start3A_136 = tpu.memref_slice %arg8[%dma_start3A_133, %dma_start3A_134, %dma_start3A_135] : memref<4x2x128xi32, #tpu.memory_space<vmem>> -> memref<1x1x128xi32, #tpu.memory_space<vmem>>
    %dma_start3A_137 = tpu.memref_squeeze %dma_start3A_136 : memref<1x1x128xi32, #tpu.memory_space<vmem>> -> memref<128xi32, #tpu.memory_space<vmem>>
    %dma_start3A_138 = arith.constant 0 : i32
    %dma_start3A_139 = arith.constant 0 : i32
    %dma_start3A_140 = tpu.memref_slice %arg2[%dma_start3A_138, %dma_start3A_139] : memref<20000x128xf32, #tpu.memory_space<hbm>> -> memref<20000x128xf32, #tpu.memory_space<hbm>>
    tpu.enqueue_indirect_dma source(%dma_start3A_140 : memref<20000x128xf32, #tpu.memory_space<hbm>>) target(%arg9 : memref<128x128xf32, #tpu.memory_space<vmem>>) offsets(%dma_start3A_137 : memref<128xi32, #tpu.memory_space<vmem>>) semaphore(%arg13 : memref<!tpu.dma_semaphore, #tpu.memory_space<semaphore_mem>>)
    %dma_wait3A_141 = arith.constant 1 : i32
    %dma_wait3A_142 = arith.constant 1 : i32
    %dma_wait3A_143 = arith.constant 0 : i32
    %dma_wait3A_144 = arith.constant 0 : i32
    %dma_wait3A_145 = tpu.memref_slice %arg8[%dma_wait3A_142, %dma_wait3A_143, %dma_wait3A_144] : memref<4x2x128xi32, #tpu.memory_space<vmem>> -> memref<1x2x128xi32, #tpu.memory_space<vmem>>
    %dma_wait3A_146 = tpu.memref_squeeze %dma_wait3A_145 : memref<1x2x128xi32, #tpu.memory_space<vmem>> -> memref<2x128xi32, #tpu.memory_space<vmem>>
    %dma_wait3A_147 = arith.constant 0 : i32
    %dma_wait3A_148 = arith.constant 0 : i32
    %dma_wait3A_149 = tpu.memref_slice %arg3[%arg0, %arg1, %dma_wait3A_141, %dma_wait3A_147, %dma_wait3A_148] : memref<2x16x80x2x128xi32, #tpu.memory_space<hbm>> -> memref<1x1x1x2x128xi32, #tpu.memory_space<hbm>>
    %dma_wait3A_150 = tpu.memref_squeeze %dma_wait3A_149 : memref<1x1x1x2x128xi32, #tpu.memory_space<hbm>> -> memref<2x128xi32, #tpu.memory_space<hbm>>
    %dma_wait3A_151 = arith.constant 0 : i32
    %dma_wait3A_152 = arith.constant 0 : i32
    %dma_wait3A_153 = tpu.memref_slice %arg8[%dma_wait3A_142, %dma_wait3A_151, %dma_wait3A_152] : memref<4x2x128xi32, #tpu.memory_space<vmem>> -> memref<1x2x128xi32, #tpu.memory_space<vmem>>
    %dma_wait3A_154 = tpu.memref_squeeze %dma_wait3A_153 : memref<1x2x128xi32, #tpu.memory_space<vmem>> -> memref<2x128xi32, #tpu.memory_space<vmem>>
    %dma_wait3A_155 = arith.constant 0 : i32
    %dma_wait3A_156 = arith.constant 0 : i32
    %dma_wait3A_157 = tpu.memref_slice %arg3[%arg0, %arg1, %dma_wait3A_141, %dma_wait3A_155, %dma_wait3A_156] : memref<2x16x80x2x128xi32, #tpu.memory_space<hbm>> -> memref<1x1x1x2x128xi32, #tpu.memory_space<hbm>>
    %dma_wait3A_158 = tpu.memref_squeeze %dma_wait3A_157 : memref<1x1x1x2x128xi32, #tpu.memory_space<hbm>> -> memref<2x128xi32, #tpu.memory_space<hbm>>
    tpu.wait_dma2 semaphore(%arg18 : memref<!tpu.dma_semaphore, #tpu.memory_space<semaphore_mem>>) src(%dma_wait3A_158 : memref<2x128xi32, #tpu.memory_space<hbm>>) dst(%dma_wait3A_154 : memref<2x128xi32, #tpu.memory_space<vmem>>)
    %dma_start3A_159 = arith.constant 1 : i32
    %dma_start3A_160 = arith.constant 0 : i32
    %dma_start3A_161 = arith.constant 0 : i32
    %dma_start3A_162 = tpu.memref_slice %arg8[%dma_start3A_159, %dma_start3A_160, %dma_start3A_161] : memref<4x2x128xi32, #tpu.memory_space<vmem>> -> memref<1x1x128xi32, #tpu.memory_space<vmem>>
    %dma_start3A_163 = tpu.memref_squeeze %dma_start3A_162 : memref<1x1x128xi32, #tpu.memory_space<vmem>> -> memref<128xi32, #tpu.memory_space<vmem>>
    %dma_start3A_164 = arith.constant 0 : i32
    %dma_start3A_165 = arith.constant 0 : i32
    %dma_start3A_166 = tpu.memref_slice %arg2[%dma_start3A_164, %dma_start3A_165] : memref<20000x128xf32, #tpu.memory_space<hbm>> -> memref<20000x128xf32, #tpu.memory_space<hbm>>
    tpu.enqueue_indirect_dma source(%dma_start3A_166 : memref<20000x128xf32, #tpu.memory_space<hbm>>) target(%arg10 : memref<128x128xf32, #tpu.memory_space<vmem>>) offsets(%dma_start3A_163 : memref<128xi32, #tpu.memory_space<vmem>>) semaphore(%arg14 : memref<!tpu.dma_semaphore, #tpu.memory_space<semaphore_mem>>)
    %barrier3A = arith.constant 0 : index
    tpu.barrier barrier_id(%barrier3A)
    %scan3A_167 = arith.constant 0 : i32
    %scan3A_168 = arith.constant 20 : i32
    %scan3A_169 = arith.addi %scan3A_167, %scan3A_168 : i32
    %scan3A_170 = arith.constant 1 : i32
    scf.for %scan3A_230 = %scan3A_167 to %scan3A_169 step %scan3A_170  : i32 {
      %mul3A_231 = arith.constant 1 : i32
      %mul3A_232 = arith.muli %scan3A_230, %mul3A_231 : i32
      %add3A = arith.constant 0 : i32
      %add3A_233 = arith.addi %add3A, %mul3A_232 : i32
      %mul3A_234 = arith.constant 4 : i32
      %mul3A_235 = arith.muli %add3A_233, %mul3A_234 : i32
      %add3A_236 = arith.constant 0 : i32
      %add3A_237 = arith.addi %mul3A_235, %add3A_236 : i32
      %dma_wait3A_238 = arith.constant 0 : i32
      %dma_wait3A_239 = arith.constant 0 : i32
      %dma_wait3A_240 = arith.constant 0 : i32
      %dma_wait3A_241 = tpu.memref_slice %arg8[%dma_wait3A_238, %dma_wait3A_239, %dma_wait3A_240] : memref<4x2x128xi32, #tpu.memory_space<vmem>> -> memref<1x1x128xi32, #tpu.memory_space<vmem>>
      %dma_wait3A_242 = tpu.memref_squeeze %dma_wait3A_241 : memref<1x1x128xi32, #tpu.memory_space<vmem>> -> memref<128xi32, #tpu.memory_space<vmem>>
      %dma_wait3A_243 = arith.constant 0 : i32
      %dma_wait3A_244 = arith.constant 0 : i32
      %dma_wait3A_245 = tpu.memref_slice %arg2[%dma_wait3A_243, %dma_wait3A_244] : memref<20000x128xf32, #tpu.memory_space<hbm>> -> memref<20000x128xf32, #tpu.memory_space<hbm>>
      tpu.wait_indirect_dma semaphore(%arg13 : memref<!tpu.dma_semaphore, #tpu.memory_space<semaphore_mem>>) src(%dma_wait3A_245 : memref<20000x128xf32, #tpu.memory_space<hbm>>) dst(%arg9 : memref<128x128xf32, #tpu.memory_space<vmem>>)
      %dma_start3A_246 = arith.constant 0 : i32
      %dma_start3A_247 = arith.constant 1 : i32
      %dma_start3A_248 = arith.constant 0 : i32
      %dma_start3A_249 = tpu.memref_slice %arg8[%dma_start3A_246, %dma_start3A_247, %dma_start3A_248] : memref<4x2x128xi32, #tpu.memory_space<vmem>> -> memref<1x1x128xi32, #tpu.memory_space<vmem>>
      %dma_start3A_250 = tpu.memref_squeeze %dma_start3A_249 : memref<1x1x128xi32, #tpu.memory_space<vmem>> -> memref<128xi32, #tpu.memory_space<vmem>>
      %dma_start3A_251 = arith.constant 0 : i32
      %dma_start3A_252 = arith.constant 0 : i32
      %dma_start3A_253 = tpu.memref_slice %arg12[%dma_start3A_251, %dma_start3A_252] : memref<10240x128xf32, #tpu.memory_space<vmem_shared>> -> memref<10240x128xf32, #tpu.memory_space<vmem_shared>>
      tpu.enqueue_indirect_dma source(%arg9 : memref<128x128xf32, #tpu.memory_space<vmem>>) target(%dma_start3A_253 : memref<10240x128xf32, #tpu.memory_space<vmem_shared>>) offsets(%dma_start3A_250 : memref<128xi32, #tpu.memory_space<vmem>>) semaphore(%arg15 : memref<!tpu.dma_semaphore, #tpu.memory_space<semaphore_mem>>) {add = true}
      %scan3A_254 = arith.constant 0 : i32
      %scan3A_255 = arith.constant 8 : i32
      %scan3A_256 = arith.addi %scan3A_254, %scan3A_255 : i32
      %scan3A_257 = arith.constant 1 : i32
      scf.for %scan3A_682 = %scan3A_254 to %scan3A_256 step %scan3A_257  : i32 {
        %mul3A_683 = arith.constant 1 : i32
        %mul3A_684 = arith.muli %scan3A_682, %mul3A_683 : i32
        %add3A_685 = arith.constant 0 : i32
        %add3A_686 = arith.addi %add3A_685, %mul3A_684 : i32
        %mul3A_687 = arith.constant 16 : i32
        %mul3A_688 = arith.muli %add3A_686, %mul3A_687 : i32
        %get3A = arith.constant 0 : i32
        %get3A_689 = arith.constant 1 : i32
        %get3A_690 = arith.index_cast %get3A : i32 to index
        %get3A_691 = arith.index_cast %get3A_689 : i32 to index
        %get3A_692 = arith.index_cast %mul3A_688 : i32 to index
        %get3A_693 = tpu.vector_load %arg8[%get3A_690, %get3A_691, %get3A_692] {strides = array<i32>} : memref<4x2x128xi32, #tpu.memory_space<vmem>>, vector<16xi32>,
        tpu.vector_store_idx %arg11[%get3A_693], %broadcast_in_dim3A_0 {add = true} : memref<10240xf32, #tpu.memory_space<vmem>>[vector<16xi32>], vector<16xf32>,
      }
      %scan3A_258 = arith.constant 8 : i32
      %add3A_259 = arith.constant 1 : i32
      %add3A_260 = arith.addi %mul3A_235, %add3A_259 : i32
      %dma_wait3A_261 = arith.constant 1 : i32
      %dma_wait3A_262 = arith.constant 0 : i32
      %dma_wait3A_263 = arith.constant 0 : i32
      %dma_wait3A_264 = tpu.memref_slice %arg8[%dma_wait3A_261, %dma_wait3A_262, %dma_wait3A_263] : memref<4x2x128xi32, #tpu.memory_space<vmem>> -> memref<1x1x128xi32, #tpu.memory_space<vmem>>
      %dma_wait3A_265 = tpu.memref_squeeze %dma_wait3A_264 : memref<1x1x128xi32, #tpu.memory_space<vmem>> -> memref<128xi32, #tpu.memory_space<vmem>>
      %dma_wait3A_266 = arith.constant 0 : i32
      %dma_wait3A_267 = arith.constant 0 : i32
      %dma_wait3A_268 = tpu.memref_slice %arg2[%dma_wait3A_266, %dma_wait3A_267] : memref<20000x128xf32, #tpu.memory_space<hbm>> -> memref<20000x128xf32, #tpu.memory_space<hbm>>
      tpu.wait_indirect_dma semaphore(%arg14 : memref<!tpu.dma_semaphore, #tpu.memory_space<semaphore_mem>>) src(%dma_wait3A_268 : memref<20000x128xf32, #tpu.memory_space<hbm>>) dst(%arg10 : memref<128x128xf32, #tpu.memory_space<vmem>>)
      %dma_start3A_269 = arith.constant 1 : i32
      %dma_start3A_270 = arith.constant 1 : i32
      %dma_start3A_271 = arith.constant 0 : i32
      %dma_start3A_272 = tpu.memref_slice %arg8[%dma_start3A_269, %dma_start3A_270, %dma_start3A_271] : memref<4x2x128xi32, #tpu.memory_space<vmem>> -> memref<1x1x128xi32, #tpu.memory_space<vmem>>
      %dma_start3A_273 = tpu.memref_squeeze %dma_start3A_272 : memref<1x1x128xi32, #tpu.memory_space<vmem>> -> memref<128xi32, #tpu.memory_space<vmem>>
      %dma_start3A_274 = arith.constant 0 : i32
      %dma_start3A_275 = arith.constant 0 : i32
      %dma_start3A_276 = tpu.memref_slice %arg12[%dma_start3A_274, %dma_start3A_275] : memref<10240x128xf32, #tpu.memory_space<vmem_shared>> -> memref<10240x128xf32, #tpu.memory_space<vmem_shared>>
      tpu.enqueue_indirect_dma source(%arg10 : memref<128x128xf32, #tpu.memory_space<vmem>>) target(%dma_start3A_276 : memref<10240x128xf32, #tpu.memory_space<vmem_shared>>) offsets(%dma_start3A_273 : memref<128xi32, #tpu.memory_space<vmem>>) semaphore(%arg16 : memref<!tpu.dma_semaphore, #tpu.memory_space<semaphore_mem>>) {add = true}
      %scan3A_277 = arith.constant 0 : i32
      %scan3A_278 = arith.constant 8 : i32
      %scan3A_279 = arith.addi %scan3A_277, %scan3A_278 : i32
      %scan3A_280 = arith.constant 1 : i32
      scf.for %scan3A_682 = %scan3A_277 to %scan3A_279 step %scan3A_280  : i32 {
        %mul3A_683 = arith.constant 1 : i32
        %mul3A_684 = arith.muli %scan3A_682, %mul3A_683 : i32
        %add3A_685 = arith.constant 0 : i32
        %add3A_686 = arith.addi %add3A_685, %mul3A_684 : i32
        %mul3A_687 = arith.constant 16 : i32
        %mul3A_688 = arith.muli %add3A_686, %mul3A_687 : i32
        %get3A = arith.constant 1 : i32
        %get3A_689 = arith.constant 1 : i32
        %get3A_690 = arith.index_cast %get3A : i32 to index
        %get3A_691 = arith.index_cast %get3A_689 : i32 to index
        %get3A_692 = arith.index_cast %mul3A_688 : i32 to index
        %get3A_693 = tpu.vector_load %arg8[%get3A_690, %get3A_691, %get3A_692] {strides = array<i32>} : memref<4x2x128xi32, #tpu.memory_space<vmem>>, vector<16xi32>,
        tpu.vector_store_idx %arg11[%get3A_693], %broadcast_in_dim3A_0 {add = true} : memref<10240xf32, #tpu.memory_space<vmem>>[vector<16xi32>], vector<16xf32>,
      }
      %scan3A_281 = arith.constant 8 : i32
      %dma_wait3A_282 = arith.constant 0 : i32
      %dma_wait3A_283 = arith.constant 1 : i32
      %dma_wait3A_284 = arith.constant 0 : i32
      %dma_wait3A_285 = tpu.memref_slice %arg8[%dma_wait3A_282, %dma_wait3A_283, %dma_wait3A_284] : memref<4x2x128xi32, #tpu.memory_space<vmem>> -> memref<1x1x128xi32, #tpu.memory_space<vmem>>
      %dma_wait3A_286 = tpu.memref_squeeze %dma_wait3A_285 : memref<1x1x128xi32, #tpu.memory_space<vmem>> -> memref<128xi32, #tpu.memory_space<vmem>>
      %dma_wait3A_287 = arith.constant 0 : i32
      %dma_wait3A_288 = arith.constant 0 : i32
      %dma_wait3A_289 = tpu.memref_slice %arg12[%dma_wait3A_287, %dma_wait3A_288] : memref<10240x128xf32, #tpu.memory_space<vmem_shared>> -> memref<10240x128xf32, #tpu.memory_space<vmem_shared>>
      tpu.wait_indirect_dma semaphore(%arg15 : memref<!tpu.dma_semaphore, #tpu.memory_space<semaphore_mem>>) src(%arg9 : memref<128x128xf32, #tpu.memory_space<vmem>>) dst(%dma_wait3A_289 : memref<10240x128xf32, #tpu.memory_space<vmem_shared>>)
      %add3A_290 = arith.constant 0 : i32
      %add3A_291 = arith.addi %mul3A_235, %add3A_290 : i32
      %add3A_292 = arith.constant 4 : i32
      %add3A_293 = arith.addi %add3A_291, %add3A_292 : i32
      %jit3A = arith.constant 80 : i32
      %eq3A_294 = arith.constant 0 : i32
      %eq3A_295 = arith.cmpi eq, %jit3A, %eq3A_294 : i32
      %jit3A_296 = arith.constant 1 : i32
      %select_n3A = arith.select %eq3A_295, %jit3A_296, %jit3A : i32
      %rem3A = arith.remsi %add3A_293, %select_n3A : i32
      %ne3A = arith.constant 0 : i32
      %ne3A_297 = arith.cmpi ne, %rem3A, %ne3A : i32
      %lt3A = arith.constant 0 : i32
      %lt3A_298 = arith.cmpi slt, %rem3A, %lt3A : i32
      %lt3A_299 = arith.constant 0 : i32
      %lt3A_300 = arith.cmpi slt, %select_n3A, %lt3A_299 : i32
      %ne3A_301 = arith.xori %lt3A_298, %lt3A_300 : i1
      %and3A = arith.andi %ne3A_301, %ne3A_297 : i1
      %add3A_302 = arith.addi %rem3A, %select_n3A : i32
      %select_n3A_303 = arith.select %and3A, %add3A_302, %rem3A : i32
      %dma_start3A_304 = arith.constant 0 : i32
      %dma_start3A_305 = arith.constant 0 : i32
      %dma_start3A_306 = arith.constant 0 : i32
      %dma_start3A_307 = tpu.memref_slice %arg8[%dma_start3A_304, %dma_start3A_305, %dma_start3A_306] : memref<4x2x128xi32, #tpu.memory_space<vmem>> -> memref<1x2x128xi32, #tpu.memory_space<vmem>>
      %dma_start3A_308 = tpu.memref_squeeze %dma_start3A_307 : memref<1x2x128xi32, #tpu.memory_space<vmem>> -> memref<2x128xi32, #tpu.memory_space<vmem>>
      %dma_start3A_309 = arith.constant 0 : i32
      %dma_start3A_310 = arith.constant 0 : i32
      %dma_start3A_311 = tpu.memref_slice %arg3[%arg0, %arg1, %select_n3A_303, %dma_start3A_309, %dma_start3A_310] : memref<2x16x80x2x128xi32, #tpu.memory_space<hbm>> -> memref<1x1x1x2x128xi32, #tpu.memory_space<hbm>>
      %dma_start3A_312 = tpu.memref_squeeze %dma_start3A_311 : memref<1x1x1x2x128xi32, #tpu.memory_space<hbm>> -> memref<2x128xi32, #tpu.memory_space<hbm>>
      %dma_start3A_313 = arith.constant 0 : i32
      %dma_start3A_314 = arith.constant 0 : i32
      %dma_start3A_315 = tpu.memref_slice %arg8[%dma_start3A_304, %dma_start3A_313, %dma_start3A_314] : memref<4x2x128xi32, #tpu.memory_space<vmem>> -> memref<1x2x128xi32, #tpu.memory_space<vmem>>
      %dma_start3A_316 = tpu.memref_squeeze %dma_start3A_315 : memref<1x2x128xi32, #tpu.memory_space<vmem>> -> memref<2x128xi32, #tpu.memory_space<vmem>>
      %dma_start3A_317 = arith.constant 0 : i32
      %dma_start3A_318 = arith.constant 0 : i32
      %dma_start3A_319 = tpu.memref_slice %arg3[%arg0, %arg1, %select_n3A_303, %dma_start3A_317, %dma_start3A_318] : memref<2x16x80x2x128xi32, #tpu.memory_space<hbm>> -> memref<1x1x1x2x128xi32, #tpu.memory_space<hbm>>
      %dma_start3A_320 = tpu.memref_squeeze %dma_start3A_319 : memref<1x1x1x2x128xi32, #tpu.memory_space<hbm>> -> memref<2x128xi32, #tpu.memory_space<hbm>>
      tpu.enqueue_dma source(%dma_start3A_320 : memref<2x128xi32, #tpu.memory_space<hbm>>) target(%dma_start3A_316 : memref<2x128xi32, #tpu.memory_space<vmem>>) target_semaphore(%arg17 : memref<!tpu.dma_semaphore, #tpu.memory_space<semaphore_mem>>)
      %add3A_321 = arith.constant 0 : i32
      %add3A_322 = arith.addi %mul3A_235, %add3A_321 : i32
      %add3A_323 = arith.constant 2 : i32
      %add3A_324 = arith.addi %add3A_322, %add3A_323 : i32
      %jit3A_325 = arith.constant 80 : i32
      %eq3A_326 = arith.constant 0 : i32
      %eq3A_327 = arith.cmpi eq, %jit3A_325, %eq3A_326 : i32
      %jit3A_328 = arith.constant 1 : i32
      %select_n3A_329 = arith.select %eq3A_327, %jit3A_328, %jit3A_325 : i32
      %rem3A_330 = arith.remsi %add3A_324, %select_n3A_329 : i32
      %ne3A_331 = arith.constant 0 : i32
      %ne3A_332 = arith.cmpi ne, %rem3A_330, %ne3A_331 : i32
      %lt3A_333 = arith.constant 0 : i32
      %lt3A_334 = arith.cmpi slt, %rem3A_330, %lt3A_333 : i32
      %lt3A_335 = arith.constant 0 : i32
      %lt3A_336 = arith.cmpi slt, %select_n3A_329, %lt3A_335 : i32
      %ne3A_337 = arith.xori %lt3A_334, %lt3A_336 : i1
      %and3A_338 = arith.andi %ne3A_337, %ne3A_332 : i1
      %add3A_339 = arith.addi %rem3A_330, %select_n3A_329 : i32
      %select_n3A_340 = arith.select %and3A_338, %add3A_339, %rem3A_330 : i32
      %dma_wait3A_341 = arith.constant 2 : i32
      %dma_wait3A_342 = arith.constant 0 : i32
      %dma_wait3A_343 = arith.constant 0 : i32
      %dma_wait3A_344 = tpu.memref_slice %arg8[%dma_wait3A_341, %dma_wait3A_342, %dma_wait3A_343] : memref<4x2x128xi32, #tpu.memory_space<vmem>> -> memref<1x2x128xi32, #tpu.memory_space<vmem>>
      %dma_wait3A_345 = tpu.memref_squeeze %dma_wait3A_344 : memref<1x2x128xi32, #tpu.memory_space<vmem>> -> memref<2x128xi32, #tpu.memory_space<vmem>>
      %dma_wait3A_346 = arith.constant 0 : i32
      %dma_wait3A_347 = arith.constant 0 : i32
      %dma_wait3A_348 = tpu.memref_slice %arg3[%arg0, %arg1, %select_n3A_340, %dma_wait3A_346, %dma_wait3A_347] : memref<2x16x80x2x128xi32, #tpu.memory_space<hbm>> -> memref<1x1x1x2x128xi32, #tpu.memory_space<hbm>>
      %dma_wait3A_349 = tpu.memref_squeeze %dma_wait3A_348 : memref<1x1x1x2x128xi32, #tpu.memory_space<hbm>> -> memref<2x128xi32, #tpu.memory_space<hbm>>
      %dma_wait3A_350 = arith.constant 0 : i32
      %dma_wait3A_351 = arith.constant 0 : i32
      %dma_wait3A_352 = tpu.memref_slice %arg8[%dma_wait3A_341, %dma_wait3A_350, %dma_wait3A_351] : memref<4x2x128xi32, #tpu.memory_space<vmem>> -> memref<1x2x128xi32, #tpu.memory_space<vmem>>
      %dma_wait3A_353 = tpu.memref_squeeze %dma_wait3A_352 : memref<1x2x128xi32, #tpu.memory_space<vmem>> -> memref<2x128xi32, #tpu.memory_space<vmem>>
      %dma_wait3A_354 = arith.constant 0 : i32
      %dma_wait3A_355 = arith.constant 0 : i32
      %dma_wait3A_356 = tpu.memref_slice %arg3[%arg0, %arg1, %select_n3A_340, %dma_wait3A_354, %dma_wait3A_355] : memref<2x16x80x2x128xi32, #tpu.memory_space<hbm>> -> memref<1x1x1x2x128xi32, #tpu.memory_space<hbm>>
      %dma_wait3A_357 = tpu.memref_squeeze %dma_wait3A_356 : memref<1x1x1x2x128xi32, #tpu.memory_space<hbm>> -> memref<2x128xi32, #tpu.memory_space<hbm>>
      tpu.wait_dma2 semaphore(%arg19 : memref<!tpu.dma_semaphore, #tpu.memory_space<semaphore_mem>>) src(%dma_wait3A_357 : memref<2x128xi32, #tpu.memory_space<hbm>>) dst(%dma_wait3A_353 : memref<2x128xi32, #tpu.memory_space<vmem>>)
      %dma_start3A_358 = arith.constant 2 : i32
      %dma_start3A_359 = arith.constant 0 : i32
      %dma_start3A_360 = arith.constant 0 : i32
      %dma_start3A_361 = tpu.memref_slice %arg8[%dma_start3A_358, %dma_start3A_359, %dma_start3A_360] : memref<4x2x128xi32, #tpu.memory_space<vmem>> -> memref<1x1x128xi32, #tpu.memory_space<vmem>>
      %dma_start3A_362 = tpu.memref_squeeze %dma_start3A_361 : memref<1x1x128xi32, #tpu.memory_space<vmem>> -> memref<128xi32, #tpu.memory_space<vmem>>
      %dma_start3A_363 = arith.constant 0 : i32
      %dma_start3A_364 = arith.constant 0 : i32
      %dma_start3A_365 = tpu.memref_slice %arg2[%dma_start3A_363, %dma_start3A_364] : memref<20000x128xf32, #tpu.memory_space<hbm>> -> memref<20000x128xf32, #tpu.memory_space<hbm>>
      tpu.enqueue_indirect_dma source(%dma_start3A_365 : memref<20000x128xf32, #tpu.memory_space<hbm>>) target(%arg9 : memref<128x128xf32, #tpu.memory_space<vmem>>) offsets(%dma_start3A_362 : memref<128xi32, #tpu.memory_space<vmem>>) semaphore(%arg13 : memref<!tpu.dma_semaphore, #tpu.memory_space<semaphore_mem>>)
      %dma_wait3A_366 = arith.constant 1 : i32
      %dma_wait3A_367 = arith.constant 1 : i32
      %dma_wait3A_368 = arith.constant 0 : i32
      %dma_wait3A_369 = tpu.memref_slice %arg8[%dma_wait3A_366, %dma_wait3A_367, %dma_wait3A_368] : memref<4x2x128xi32, #tpu.memory_space<vmem>> -> memref<1x1x128xi32, #tpu.memory_space<vmem>>
      %dma_wait3A_370 = tpu.memref_squeeze %dma_wait3A_369 : memref<1x1x128xi32, #tpu.memory_space<vmem>> -> memref<128xi32, #tpu.memory_space<vmem>>
      %dma_wait3A_371 = arith.constant 0 : i32
      %dma_wait3A_372 = arith.constant 0 : i32
      %dma_wait3A_373 = tpu.memref_slice %arg12[%dma_wait3A_371, %dma_wait3A_372] : memref<10240x128xf32, #tpu.memory_space<vmem_shared>> -> memref<10240x128xf32, #tpu.memory_space<vmem_shared>>
      tpu.wait_indirect_dma semaphore(%arg16 : memref<!tpu.dma_semaphore, #tpu.memory_space<semaphore_mem>>) src(%arg10 : memref<128x128xf32, #tpu.memory_space<vmem>>) dst(%dma_wait3A_373 : memref<10240x128xf32, #tpu.memory_space<vmem_shared>>)
      %add3A_374 = arith.constant 1 : i32
      %add3A_375 = arith.addi %mul3A_235, %add3A_374 : i32
      %add3A_376 = arith.constant 4 : i32
      %add3A_377 = arith.addi %add3A_375, %add3A_376 : i32
      %jit3A_378 = arith.constant 80 : i32
      %eq3A_379 = arith.constant 0 : i32
      %eq3A_380 = arith.cmpi eq, %jit3A_378, %eq3A_379 : i32
      %jit3A_381 = arith.constant 1 : i32
      %select_n3A_382 = arith.select %eq3A_380, %jit3A_381, %jit3A_378 : i32
      %rem3A_383 = arith.remsi %add3A_377, %select_n3A_382 : i32
      %ne3A_384 = arith.constant 0 : i32
      %ne3A_385 = arith.cmpi ne, %rem3A_383, %ne3A_384 : i32
      %lt3A_386 = arith.constant 0 : i32
      %lt3A_387 = arith.cmpi slt, %rem3A_383, %lt3A_386 : i32
      %lt3A_388 = arith.constant 0 : i32
      %lt3A_389 = arith.cmpi slt, %select_n3A_382, %lt3A_388 : i32
      %ne3A_390 = arith.xori %lt3A_387, %lt3A_389 : i1
      %and3A_391 = arith.andi %ne3A_390, %ne3A_385 : i1
      %add3A_392 = arith.addi %rem3A_383, %select_n3A_382 : i32
      %select_n3A_393 = arith.select %and3A_391, %add3A_392, %rem3A_383 : i32
      %dma_start3A_394 = arith.constant 1 : i32
      %dma_start3A_395 = arith.constant 0 : i32
      %dma_start3A_396 = arith.constant 0 : i32
      %dma_start3A_397 = tpu.memref_slice %arg8[%dma_start3A_394, %dma_start3A_395, %dma_start3A_396] : memref<4x2x128xi32, #tpu.memory_space<vmem>> -> memref<1x2x128xi32, #tpu.memory_space<vmem>>
      %dma_start3A_398 = tpu.memref_squeeze %dma_start3A_397 : memref<1x2x128xi32, #tpu.memory_space<vmem>> -> memref<2x128xi32, #tpu.memory_space<vmem>>
      %dma_start3A_399 = arith.constant 0 : i32
      %dma_start3A_400 = arith.constant 0 : i32
      %dma_start3A_401 = tpu.memref_slice %arg3[%arg0, %arg1, %select_n3A_393, %dma_start3A_399, %dma_start3A_400] : memref<2x16x80x2x128xi32, #tpu.memory_space<hbm>> -> memref<1x1x1x2x128xi32, #tpu.memory_space<hbm>>
      %dma_start3A_402 = tpu.memref_squeeze %dma_start3A_401 : memref<1x1x1x2x128xi32, #tpu.memory_space<hbm>> -> memref<2x128xi32, #tpu.memory_space<hbm>>
      %dma_start3A_403 = arith.constant 0 : i32
      %dma_start3A_404 = arith.constant 0 : i32
      %dma_start3A_405 = tpu.memref_slice %arg8[%dma_start3A_394, %dma_start3A_403, %dma_start3A_404] : memref<4x2x128xi32, #tpu.memory_space<vmem>> -> memref<1x2x128xi32, #tpu.memory_space<vmem>>
      %dma_start3A_406 = tpu.memref_squeeze %dma_start3A_405 : memref<1x2x128xi32, #tpu.memory_space<vmem>> -> memref<2x128xi32, #tpu.memory_space<vmem>>
      %dma_start3A_407 = arith.constant 0 : i32
      %dma_start3A_408 = arith.constant 0 : i32
      %dma_start3A_409 = tpu.memref_slice %arg3[%arg0, %arg1, %select_n3A_393, %dma_start3A_407, %dma_start3A_408] : memref<2x16x80x2x128xi32, #tpu.memory_space<hbm>> -> memref<1x1x1x2x128xi32, #tpu.memory_space<hbm>>
      %dma_start3A_410 = tpu.memref_squeeze %dma_start3A_409 : memref<1x1x1x2x128xi32, #tpu.memory_space<hbm>> -> memref<2x128xi32, #tpu.memory_space<hbm>>
      tpu.enqueue_dma source(%dma_start3A_410 : memref<2x128xi32, #tpu.memory_space<hbm>>) target(%dma_start3A_406 : memref<2x128xi32, #tpu.memory_space<vmem>>) target_semaphore(%arg18 : memref<!tpu.dma_semaphore, #tpu.memory_space<semaphore_mem>>)
      %add3A_411 = arith.constant 1 : i32
      %add3A_412 = arith.addi %mul3A_235, %add3A_411 : i32
      %add3A_413 = arith.constant 2 : i32
      %add3A_414 = arith.addi %add3A_412, %add3A_413 : i32
      %jit3A_415 = arith.constant 80 : i32
      %eq3A_416 = arith.constant 0 : i32
      %eq3A_417 = arith.cmpi eq, %jit3A_415, %eq3A_416 : i32
      %jit3A_418 = arith.constant 1 : i32
      %select_n3A_419 = arith.select %eq3A_417, %jit3A_418, %jit3A_415 : i32
      %rem3A_420 = arith.remsi %add3A_414, %select_n3A_419 : i32
      %ne3A_421 = arith.constant 0 : i32
      %ne3A_422 = arith.cmpi ne, %rem3A_420, %ne3A_421 : i32
      %lt3A_423 = arith.constant 0 : i32
      %lt3A_424 = arith.cmpi slt, %rem3A_420, %lt3A_423 : i32
      %lt3A_425 = arith.constant 0 : i32
      %lt3A_426 = arith.cmpi slt, %select_n3A_419, %lt3A_425 : i32
      %ne3A_427 = arith.xori %lt3A_424, %lt3A_426 : i1
      %and3A_428 = arith.andi %ne3A_427, %ne3A_422 : i1
      %add3A_429 = arith.addi %rem3A_420, %select_n3A_419 : i32
      %select_n3A_430 = arith.select %and3A_428, %add3A_429, %rem3A_420 : i32
      %dma_wait3A_431 = arith.constant 3 : i32
      %dma_wait3A_432 = arith.constant 0 : i32
      %dma_wait3A_433 = arith.constant 0 : i32
      %dma_wait3A_434 = tpu.memref_slice %arg8[%dma_wait3A_431, %dma_wait3A_432, %dma_wait3A_433] : memref<4x2x128xi32, #tpu.memory_space<vmem>> -> memref<1x2x128xi32, #tpu.memory_space<vmem>>
      %dma_wait3A_435 = tpu.memref_squeeze %dma_wait3A_434 : memref<1x2x128xi32, #tpu.memory_space<vmem>> -> memref<2x128xi32, #tpu.memory_space<vmem>>
      %dma_wait3A_436 = arith.constant 0 : i32
      %dma_wait3A_437 = arith.constant 0 : i32
      %dma_wait3A_438 = tpu.memref_slice %arg3[%arg0, %arg1, %select_n3A_430, %dma_wait3A_436, %dma_wait3A_437] : memref<2x16x80x2x128xi32, #tpu.memory_space<hbm>> -> memref<1x1x1x2x128xi32, #tpu.memory_space<hbm>>
      %dma_wait3A_439 = tpu.memref_squeeze %dma_wait3A_438 : memref<1x1x1x2x128xi32, #tpu.memory_space<hbm>> -> memref<2x128xi32, #tpu.memory_space<hbm>>
      %dma_wait3A_440 = arith.constant 0 : i32
      %dma_wait3A_441 = arith.constant 0 : i32
      %dma_wait3A_442 = tpu.memref_slice %arg8[%dma_wait3A_431, %dma_wait3A_440, %dma_wait3A_441] : memref<4x2x128xi32, #tpu.memory_space<vmem>> -> memref<1x2x128xi32, #tpu.memory_space<vmem>>
      %dma_wait3A_443 = tpu.memref_squeeze %dma_wait3A_442 : memref<1x2x128xi32, #tpu.memory_space<vmem>> -> memref<2x128xi32, #tpu.memory_space<vmem>>
      %dma_wait3A_444 = arith.constant 0 : i32
      %dma_wait3A_445 = arith.constant 0 : i32
      %dma_wait3A_446 = tpu.memref_slice %arg3[%arg0, %arg1, %select_n3A_430, %dma_wait3A_444, %dma_wait3A_445] : memref<2x16x80x2x128xi32, #tpu.memory_space<hbm>> -> memref<1x1x1x2x128xi32, #tpu.memory_space<hbm>>
      %dma_wait3A_447 = tpu.memref_squeeze %dma_wait3A_446 : memref<1x1x1x2x128xi32, #tpu.memory_space<hbm>> -> memref<2x128xi32, #tpu.memory_space<hbm>>
      tpu.wait_dma2 semaphore(%arg20 : memref<!tpu.dma_semaphore, #tpu.memory_space<semaphore_mem>>) src(%dma_wait3A_447 : memref<2x128xi32, #tpu.memory_space<hbm>>) dst(%dma_wait3A_443 : memref<2x128xi32, #tpu.memory_space<vmem>>)
      %dma_start3A_448 = arith.constant 3 : i32
      %dma_start3A_449 = arith.constant 0 : i32
      %dma_start3A_450 = arith.constant 0 : i32
      %dma_start3A_451 = tpu.memref_slice %arg8[%dma_start3A_448, %dma_start3A_449, %dma_start3A_450] : memref<4x2x128xi32, #tpu.memory_space<vmem>> -> memref<1x1x128xi32, #tpu.memory_space<vmem>>
      %dma_start3A_452 = tpu.memref_squeeze %dma_start3A_451 : memref<1x1x128xi32, #tpu.memory_space<vmem>> -> memref<128xi32, #tpu.memory_space<vmem>>
      %dma_start3A_453 = arith.constant 0 : i32
      %dma_start3A_454 = arith.constant 0 : i32
      %dma_start3A_455 = tpu.memref_slice %arg2[%dma_start3A_453, %dma_start3A_454] : memref<20000x128xf32, #tpu.memory_space<hbm>> -> memref<20000x128xf32, #tpu.memory_space<hbm>>
      tpu.enqueue_indirect_dma source(%dma_start3A_455 : memref<20000x128xf32, #tpu.memory_space<hbm>>) target(%arg10 : memref<128x128xf32, #tpu.memory_space<vmem>>) offsets(%dma_start3A_452 : memref<128xi32, #tpu.memory_space<vmem>>) semaphore(%arg14 : memref<!tpu.dma_semaphore, #tpu.memory_space<semaphore_mem>>)
      %add3A_456 = arith.constant 2 : i32
      %add3A_457 = arith.addi %mul3A_235, %add3A_456 : i32
      %dma_wait3A_458 = arith.constant 2 : i32
      %dma_wait3A_459 = arith.constant 0 : i32
      %dma_wait3A_460 = arith.constant 0 : i32
      %dma_wait3A_461 = tpu.memref_slice %arg8[%dma_wait3A_458, %dma_wait3A_459, %dma_wait3A_460] : memref<4x2x128xi32, #tpu.memory_space<vmem>> -> memref<1x1x128xi32, #tpu.memory_space<vmem>>
      %dma_wait3A_462 = tpu.memref_squeeze %dma_wait3A_461 : memref<1x1x128xi32, #tpu.memory_space<vmem>> -> memref<128xi32, #tpu.memory_space<vmem>>
      %dma_wait3A_463 = arith.constant 0 : i32
      %dma_wait3A_464 = arith.constant 0 : i32
      %dma_wait3A_465 = tpu.memref_slice %arg2[%dma_wait3A_463, %dma_wait3A_464] : memref<20000x128xf32, #tpu.memory_space<hbm>> -> memref<20000x128xf32, #tpu.memory_space<hbm>>
      tpu.wait_indirect_dma semaphore(%arg13 : memref<!tpu.dma_semaphore, #tpu.memory_space<semaphore_mem>>) src(%dma_wait3A_465 : memref<20000x128xf32, #tpu.memory_space<hbm>>) dst(%arg9 : memref<128x128xf32, #tpu.memory_space<vmem>>)
      %dma_start3A_466 = arith.constant 2 : i32
      %dma_start3A_467 = arith.constant 1 : i32
      %dma_start3A_468 = arith.constant 0 : i32
      %dma_start3A_469 = tpu.memref_slice %arg8[%dma_start3A_466, %dma_start3A_467, %dma_start3A_468] : memref<4x2x128xi32, #tpu.memory_space<vmem>> -> memref<1x1x128xi32, #tpu.memory_space<vmem>>
      %dma_start3A_470 = tpu.memref_squeeze %dma_start3A_469 : memref<1x1x128xi32, #tpu.memory_space<vmem>> -> memref<128xi32, #tpu.memory_space<vmem>>
      %dma_start3A_471 = arith.constant 0 : i32
      %dma_start3A_472 = arith.constant 0 : i32
      %dma_start3A_473 = tpu.memref_slice %arg12[%dma_start3A_471, %dma_start3A_472] : memref<10240x128xf32, #tpu.memory_space<vmem_shared>> -> memref<10240x128xf32, #tpu.memory_space<vmem_shared>>
      tpu.enqueue_indirect_dma source(%arg9 : memref<128x128xf32, #tpu.memory_space<vmem>>) target(%dma_start3A_473 : memref<10240x128xf32, #tpu.memory_space<vmem_shared>>) offsets(%dma_start3A_470 : memref<128xi32, #tpu.memory_space<vmem>>) semaphore(%arg15 : memref<!tpu.dma_semaphore, #tpu.memory_space<semaphore_mem>>) {add = true}
      %scan3A_474 = arith.constant 0 : i32
      %scan3A_475 = arith.constant 8 : i32
      %scan3A_476 = arith.addi %scan3A_474, %scan3A_475 : i32
      %scan3A_477 = arith.constant 1 : i32
      scf.for %scan3A_682 = %scan3A_474 to %scan3A_476 step %scan3A_477  : i32 {
        %mul3A_683 = arith.constant 1 : i32
        %mul3A_684 = arith.muli %scan3A_682, %mul3A_683 : i32
        %add3A_685 = arith.constant 0 : i32
        %add3A_686 = arith.addi %add3A_685, %mul3A_684 : i32
        %mul3A_687 = arith.constant 16 : i32
        %mul3A_688 = arith.muli %add3A_686, %mul3A_687 : i32
        %get3A = arith.constant 2 : i32
        %get3A_689 = arith.constant 1 : i32
        %get3A_690 = arith.index_cast %get3A : i32 to index
        %get3A_691 = arith.index_cast %get3A_689 : i32 to index
        %get3A_692 = arith.index_cast %mul3A_688 : i32 to index
        %get3A_693 = tpu.vector_load %arg8[%get3A_690, %get3A_691, %get3A_692] {strides = array<i32>} : memref<4x2x128xi32, #tpu.memory_space<vmem>>, vector<16xi32>,
        tpu.vector_store_idx %arg11[%get3A_693], %broadcast_in_dim3A_0 {add = true} : memref<10240xf32, #tpu.memory_space<vmem>>[vector<16xi32>], vector<16xf32>,
      }
      %scan3A_478 = arith.constant 8 : i32
      %add3A_479 = arith.constant 3 : i32
      %add3A_480 = arith.addi %mul3A_235, %add3A_479 : i32
      %dma_wait3A_481 = arith.constant 3 : i32
      %dma_wait3A_482 = arith.constant 0 : i32
      %dma_wait3A_483 = arith.constant 0 : i32
      %dma_wait3A_484 = tpu.memref_slice %arg8[%dma_wait3A_481, %dma_wait3A_482, %dma_wait3A_483] : memref<4x2x128xi32, #tpu.memory_space<vmem>> -> memref<1x1x128xi32, #tpu.memory_space<vmem>>
      %dma_wait3A_485 = tpu.memref_squeeze %dma_wait3A_484 : memref<1x1x128xi32, #tpu.memory_space<vmem>> -> memref<128xi32, #tpu.memory_space<vmem>>
      %dma_wait3A_486 = arith.constant 0 : i32
      %dma_wait3A_487 = arith.constant 0 : i32
      %dma_wait3A_488 = tpu.memref_slice %arg2[%dma_wait3A_486, %dma_wait3A_487] : memref<20000x128xf32, #tpu.memory_space<hbm>> -> memref<20000x128xf32, #tpu.memory_space<hbm>>
      tpu.wait_indirect_dma semaphore(%arg14 : memref<!tpu.dma_semaphore, #tpu.memory_space<semaphore_mem>>) src(%dma_wait3A_488 : memref<20000x128xf32, #tpu.memory_space<hbm>>) dst(%arg10 : memref<128x128xf32, #tpu.memory_space<vmem>>)
      %dma_start3A_489 = arith.constant 3 : i32
      %dma_start3A_490 = arith.constant 1 : i32
      %dma_start3A_491 = arith.constant 0 : i32
      %dma_start3A_492 = tpu.memref_slice %arg8[%dma_start3A_489, %dma_start3A_490, %dma_start3A_491] : memref<4x2x128xi32, #tpu.memory_space<vmem>> -> memref<1x1x128xi32, #tpu.memory_space<vmem>>
      %dma_start3A_493 = tpu.memref_squeeze %dma_start3A_492 : memref<1x1x128xi32, #tpu.memory_space<vmem>> -> memref<128xi32, #tpu.memory_space<vmem>>
      %dma_start3A_494 = arith.constant 0 : i32
      %dma_start3A_495 = arith.constant 0 : i32
      %dma_start3A_496 = tpu.memref_slice %arg12[%dma_start3A_494, %dma_start3A_495] : memref<10240x128xf32, #tpu.memory_space<vmem_shared>> -> memref<10240x128xf32, #tpu.memory_space<vmem_shared>>
      tpu.enqueue_indirect_dma source(%arg10 : memref<128x128xf32, #tpu.memory_space<vmem>>) target(%dma_start3A_496 : memref<10240x128xf32, #tpu.memory_space<vmem_shared>>) offsets(%dma_start3A_493 : memref<128xi32, #tpu.memory_space<vmem>>) semaphore(%arg16 : memref<!tpu.dma_semaphore, #tpu.memory_space<semaphore_mem>>) {add = true}
      %scan3A_497 = arith.constant 0 : i32
      %scan3A_498 = arith.constant 8 : i32
      %scan3A_499 = arith.addi %scan3A_497, %scan3A_498 : i32
      %scan3A_500 = arith.constant 1 : i32
      scf.for %scan3A_682 = %scan3A_497 to %scan3A_499 step %scan3A_500  : i32 {
        %mul3A_683 = arith.constant 1 : i32
        %mul3A_684 = arith.muli %scan3A_682, %mul3A_683 : i32
        %add3A_685 = arith.constant 0 : i32
        %add3A_686 = arith.addi %add3A_685, %mul3A_684 : i32
        %mul3A_687 = arith.constant 16 : i32
        %mul3A_688 = arith.muli %add3A_686, %mul3A_687 : i32
        %get3A = arith.constant 3 : i32
        %get3A_689 = arith.constant 1 : i32
        %get3A_690 = arith.index_cast %get3A : i32 to index
        %get3A_691 = arith.index_cast %get3A_689 : i32 to index
        %get3A_692 = arith.index_cast %mul3A_688 : i32 to index
        %get3A_693 = tpu.vector_load %arg8[%get3A_690, %get3A_691, %get3A_692] {strides = array<i32>} : memref<4x2x128xi32, #tpu.memory_space<vmem>>, vector<16xi32>,
        tpu.vector_store_idx %arg11[%get3A_693], %broadcast_in_dim3A_0 {add = true} : memref<10240xf32, #tpu.memory_space<vmem>>[vector<16xi32>], vector<16xf32>,
      }
      %scan3A_501 = arith.constant 8 : i32
      %dma_wait3A_502 = arith.constant 2 : i32
      %dma_wait3A_503 = arith.constant 1 : i32
      %dma_wait3A_504 = arith.constant 0 : i32
      %dma_wait3A_505 = tpu.memref_slice %arg8[%dma_wait3A_502, %dma_wait3A_503, %dma_wait3A_504] : memref<4x2x128xi32, #tpu.memory_space<vmem>> -> memref<1x1x128xi32, #tpu.memory_space<vmem>>
      %dma_wait3A_506 = tpu.memref_squeeze %dma_wait3A_505 : memref<1x1x128xi32, #tpu.memory_space<vmem>> -> memref<128xi32, #tpu.memory_space<vmem>>
      %dma_wait3A_507 = arith.constant 0 : i32
      %dma_wait3A_508 = arith.constant 0 : i32
      %dma_wait3A_509 = tpu.memref_slice %arg12[%dma_wait3A_507, %dma_wait3A_508] : memref<10240x128xf32, #tpu.memory_space<vmem_shared>> -> memref<10240x128xf32, #tpu.memory_space<vmem_shared>>
      tpu.wait_indirect_dma semaphore(%arg15 : memref<!tpu.dma_semaphore, #tpu.memory_space<semaphore_mem>>) src(%arg9 : memref<128x128xf32, #tpu.memory_space<vmem>>) dst(%dma_wait3A_509 : memref<10240x128xf32, #tpu.memory_space<vmem_shared>>)
      %add3A_510 = arith.constant 2 : i32
      %add3A_511 = arith.addi %mul3A_235, %add3A_510 : i32
      %add3A_512 = arith.constant 4 : i32
      %add3A_513 = arith.addi %add3A_511, %add3A_512 : i32
      %jit3A_514 = arith.constant 80 : i32
      %eq3A_515 = arith.constant 0 : i32
      %eq3A_516 = arith.cmpi eq, %jit3A_514, %eq3A_515 : i32
      %jit3A_517 = arith.constant 1 : i32
      %select_n3A_518 = arith.select %eq3A_516, %jit3A_517, %jit3A_514 : i32
      %rem3A_519 = arith.remsi %add3A_513, %select_n3A_518 : i32
      %ne3A_520 = arith.constant 0 : i32
      %ne3A_521 = arith.cmpi ne, %rem3A_519, %ne3A_520 : i32
      %lt3A_522 = arith.constant 0 : i32
      %lt3A_523 = arith.cmpi slt, %rem3A_519, %lt3A_522 : i32
      %lt3A_524 = arith.constant 0 : i32
      %lt3A_525 = arith.cmpi slt, %select_n3A_518, %lt3A_524 : i32
      %ne3A_526 = arith.xori %lt3A_523, %lt3A_525 : i1
      %and3A_527 = arith.andi %ne3A_526, %ne3A_521 : i1
      %add3A_528 = arith.addi %rem3A_519, %select_n3A_518 : i32
      %select_n3A_529 = arith.select %and3A_527, %add3A_528, %rem3A_519 : i32
      %dma_start3A_530 = arith.constant 2 : i32
      %dma_start3A_531 = arith.constant 0 : i32
      %dma_start3A_532 = arith.constant 0 : i32
      %dma_start3A_533 = tpu.memref_slice %arg8[%dma_start3A_530, %dma_start3A_531, %dma_start3A_532] : memref<4x2x128xi32, #tpu.memory_space<vmem>> -> memref<1x2x128xi32, #tpu.memory_space<vmem>>
      %dma_start3A_534 = tpu.memref_squeeze %dma_start3A_533 : memref<1x2x128xi32, #tpu.memory_space<vmem>> -> memref<2x128xi32, #tpu.memory_space<vmem>>
      %dma_start3A_535 = arith.constant 0 : i32
      %dma_start3A_536 = arith.constant 0 : i32
      %dma_start3A_537 = tpu.memref_slice %arg3[%arg0, %arg1, %select_n3A_529, %dma_start3A_535, %dma_start3A_536] : memref<2x16x80x2x128xi32, #tpu.memory_space<hbm>> -> memref<1x1x1x2x128xi32, #tpu.memory_space<hbm>>
      %dma_start3A_538 = tpu.memref_squeeze %dma_start3A_537 : memref<1x1x1x2x128xi32, #tpu.memory_space<hbm>> -> memref<2x128xi32, #tpu.memory_space<hbm>>
      %dma_start3A_539 = arith.constant 0 : i32
      %dma_start3A_540 = arith.constant 0 : i32
      %dma_start3A_541 = tpu.memref_slice %arg8[%dma_start3A_530, %dma_start3A_539, %dma_start3A_540] : memref<4x2x128xi32, #tpu.memory_space<vmem>> -> memref<1x2x128xi32, #tpu.memory_space<vmem>>
      %dma_start3A_542 = tpu.memref_squeeze %dma_start3A_541 : memref<1x2x128xi32, #tpu.memory_space<vmem>> -> memref<2x128xi32, #tpu.memory_space<vmem>>
      %dma_start3A_543 = arith.constant 0 : i32
      %dma_start3A_544 = arith.constant 0 : i32
      %dma_start3A_545 = tpu.memref_slice %arg3[%arg0, %arg1, %select_n3A_529, %dma_start3A_543, %dma_start3A_544] : memref<2x16x80x2x128xi32, #tpu.memory_space<hbm>> -> memref<1x1x1x2x128xi32, #tpu.memory_space<hbm>>
      %dma_start3A_546 = tpu.memref_squeeze %dma_start3A_545 : memref<1x1x1x2x128xi32, #tpu.memory_space<hbm>> -> memref<2x128xi32, #tpu.memory_space<hbm>>
      tpu.enqueue_dma source(%dma_start3A_546 : memref<2x128xi32, #tpu.memory_space<hbm>>) target(%dma_start3A_542 : memref<2x128xi32, #tpu.memory_space<vmem>>) target_semaphore(%arg19 : memref<!tpu.dma_semaphore, #tpu.memory_space<semaphore_mem>>)
      %add3A_547 = arith.constant 2 : i32
      %add3A_548 = arith.addi %mul3A_235, %add3A_547 : i32
      %add3A_549 = arith.constant 2 : i32
      %add3A_550 = arith.addi %add3A_548, %add3A_549 : i32
      %jit3A_551 = arith.constant 80 : i32
      %eq3A_552 = arith.constant 0 : i32
      %eq3A_553 = arith.cmpi eq, %jit3A_551, %eq3A_552 : i32
      %jit3A_554 = arith.constant 1 : i32
      %select_n3A_555 = arith.select %eq3A_553, %jit3A_554, %jit3A_551 : i32
      %rem3A_556 = arith.remsi %add3A_550, %select_n3A_555 : i32
      %ne3A_557 = arith.constant 0 : i32
      %ne3A_558 = arith.cmpi ne, %rem3A_556, %ne3A_557 : i32
      %lt3A_559 = arith.constant 0 : i32
      %lt3A_560 = arith.cmpi slt, %rem3A_556, %lt3A_559 : i32
      %lt3A_561 = arith.constant 0 : i32
      %lt3A_562 = arith.cmpi slt, %select_n3A_555, %lt3A_561 : i32
      %ne3A_563 = arith.xori %lt3A_560, %lt3A_562 : i1
      %and3A_564 = arith.andi %ne3A_563, %ne3A_558 : i1
      %add3A_565 = arith.addi %rem3A_556, %select_n3A_555 : i32
      %select_n3A_566 = arith.select %and3A_564, %add3A_565, %rem3A_556 : i32
      %dma_wait3A_567 = arith.constant 0 : i32
      %dma_wait3A_568 = arith.constant 0 : i32
      %dma_wait3A_569 = arith.constant 0 : i32
      %dma_wait3A_570 = tpu.memref_slice %arg8[%dma_wait3A_567, %dma_wait3A_568, %dma_wait3A_569] : memref<4x2x128xi32, #tpu.memory_space<vmem>> -> memref<1x2x128xi32, #tpu.memory_space<vmem>>
      %dma_wait3A_571 = tpu.memref_squeeze %dma_wait3A_570 : memref<1x2x128xi32, #tpu.memory_space<vmem>> -> memref<2x128xi32, #tpu.memory_space<vmem>>
      %dma_wait3A_572 = arith.constant 0 : i32
      %dma_wait3A_573 = arith.constant 0 : i32
      %dma_wait3A_574 = tpu.memref_slice %arg3[%arg0, %arg1, %select_n3A_566, %dma_wait3A_572, %dma_wait3A_573] : memref<2x16x80x2x128xi32, #tpu.memory_space<hbm>> -> memref<1x1x1x2x128xi32, #tpu.memory_space<hbm>>
      %dma_wait3A_575 = tpu.memref_squeeze %dma_wait3A_574 : memref<1x1x1x2x128xi32, #tpu.memory_space<hbm>> -> memref<2x128xi32, #tpu.memory_space<hbm>>
      %dma_wait3A_576 = arith.constant 0 : i32
      %dma_wait3A_577 = arith.constant 0 : i32
      %dma_wait3A_578 = tpu.memref_slice %arg8[%dma_wait3A_567, %dma_wait3A_576, %dma_wait3A_577] : memref<4x2x128xi32, #tpu.memory_space<vmem>> -> memref<1x2x128xi32, #tpu.memory_space<vmem>>
      %dma_wait3A_579 = tpu.memref_squeeze %dma_wait3A_578 : memref<1x2x128xi32, #tpu.memory_space<vmem>> -> memref<2x128xi32, #tpu.memory_space<vmem>>
      %dma_wait3A_580 = arith.constant 0 : i32
      %dma_wait3A_581 = arith.constant 0 : i32
      %dma_wait3A_582 = tpu.memref_slice %arg3[%arg0, %arg1, %select_n3A_566, %dma_wait3A_580, %dma_wait3A_581] : memref<2x16x80x2x128xi32, #tpu.memory_space<hbm>> -> memref<1x1x1x2x128xi32, #tpu.memory_space<hbm>>
      %dma_wait3A_583 = tpu.memref_squeeze %dma_wait3A_582 : memref<1x1x1x2x128xi32, #tpu.memory_space<hbm>> -> memref<2x128xi32, #tpu.memory_space<hbm>>
      tpu.wait_dma2 semaphore(%arg17 : memref<!tpu.dma_semaphore, #tpu.memory_space<semaphore_mem>>) src(%dma_wait3A_583 : memref<2x128xi32, #tpu.memory_space<hbm>>) dst(%dma_wait3A_579 : memref<2x128xi32, #tpu.memory_space<vmem>>)
      %dma_start3A_584 = arith.constant 0 : i32
      %dma_start3A_585 = arith.constant 0 : i32
      %dma_start3A_586 = arith.constant 0 : i32
      %dma_start3A_587 = tpu.memref_slice %arg8[%dma_start3A_584, %dma_start3A_585, %dma_start3A_586] : memref<4x2x128xi32, #tpu.memory_space<vmem>> -> memref<1x1x128xi32, #tpu.memory_space<vmem>>
      %dma_start3A_588 = tpu.memref_squeeze %dma_start3A_587 : memref<1x1x128xi32, #tpu.memory_space<vmem>> -> memref<128xi32, #tpu.memory_space<vmem>>
      %dma_start3A_589 = arith.constant 0 : i32
      %dma_start3A_590 = arith.constant 0 : i32
      %dma_start3A_591 = tpu.memref_slice %arg2[%dma_start3A_589, %dma_start3A_590] : memref<20000x128xf32, #tpu.memory_space<hbm>> -> memref<20000x128xf32, #tpu.memory_space<hbm>>
      tpu.enqueue_indirect_dma source(%dma_start3A_591 : memref<20000x128xf32, #tpu.memory_space<hbm>>) target(%arg9 : memref<128x128xf32, #tpu.memory_space<vmem>>) offsets(%dma_start3A_588 : memref<128xi32, #tpu.memory_space<vmem>>) semaphore(%arg13 : memref<!tpu.dma_semaphore, #tpu.memory_space<semaphore_mem>>)
      %dma_wait3A_592 = arith.constant 3 : i32
      %dma_wait3A_593 = arith.constant 1 : i32
      %dma_wait3A_594 = arith.constant 0 : i32
      %dma_wait3A_595 = tpu.memref_slice %arg8[%dma_wait3A_592, %dma_wait3A_593, %dma_wait3A_594] : memref<4x2x128xi32, #tpu.memory_space<vmem>> -> memref<1x1x128xi32, #tpu.memory_space<vmem>>
      %dma_wait3A_596 = tpu.memref_squeeze %dma_wait3A_595 : memref<1x1x128xi32, #tpu.memory_space<vmem>> -> memref<128xi32, #tpu.memory_space<vmem>>
      %dma_wait3A_597 = arith.constant 0 : i32
      %dma_wait3A_598 = arith.constant 0 : i32
      %dma_wait3A_599 = tpu.memref_slice %arg12[%dma_wait3A_597, %dma_wait3A_598] : memref<10240x128xf32, #tpu.memory_space<vmem_shared>> -> memref<10240x128xf32, #tpu.memory_space<vmem_shared>>
      tpu.wait_indirect_dma semaphore(%arg16 : memref<!tpu.dma_semaphore, #tpu.memory_space<semaphore_mem>>) src(%arg10 : memref<128x128xf32, #tpu.memory_space<vmem>>) dst(%dma_wait3A_599 : memref<10240x128xf32, #tpu.memory_space<vmem_shared>>)
      %add3A_600 = arith.constant 3 : i32
      %add3A_601 = arith.addi %mul3A_235, %add3A_600 : i32
      %add3A_602 = arith.constant 4 : i32
      %add3A_603 = arith.addi %add3A_601, %add3A_602 : i32
      %jit3A_604 = arith.constant 80 : i32
      %eq3A_605 = arith.constant 0 : i32
      %eq3A_606 = arith.cmpi eq, %jit3A_604, %eq3A_605 : i32
      %jit3A_607 = arith.constant 1 : i32
      %select_n3A_608 = arith.select %eq3A_606, %jit3A_607, %jit3A_604 : i32
      %rem3A_609 = arith.remsi %add3A_603, %select_n3A_608 : i32
      %ne3A_610 = arith.constant 0 : i32
      %ne3A_611 = arith.cmpi ne, %rem3A_609, %ne3A_610 : i32
      %lt3A_612 = arith.constant 0 : i32
      %lt3A_613 = arith.cmpi slt, %rem3A_609, %lt3A_612 : i32
      %lt3A_614 = arith.constant 0 : i32
      %lt3A_615 = arith.cmpi slt, %select_n3A_608, %lt3A_614 : i32
      %ne3A_616 = arith.xori %lt3A_613, %lt3A_615 : i1
      %and3A_617 = arith.andi %ne3A_616, %ne3A_611 : i1
      %add3A_618 = arith.addi %rem3A_609, %select_n3A_608 : i32
      %select_n3A_619 = arith.select %and3A_617, %add3A_618, %rem3A_609 : i32
      %dma_start3A_620 = arith.constant 3 : i32
      %dma_start3A_621 = arith.constant 0 : i32
      %dma_start3A_622 = arith.constant 0 : i32
      %dma_start3A_623 = tpu.memref_slice %arg8[%dma_start3A_620, %dma_start3A_621, %dma_start3A_622] : memref<4x2x128xi32, #tpu.memory_space<vmem>> -> memref<1x2x128xi32, #tpu.memory_space<vmem>>
      %dma_start3A_624 = tpu.memref_squeeze %dma_start3A_623 : memref<1x2x128xi32, #tpu.memory_space<vmem>> -> memref<2x128xi32, #tpu.memory_space<vmem>>
      %dma_start3A_625 = arith.constant 0 : i32
      %dma_start3A_626 = arith.constant 0 : i32
      %dma_start3A_627 = tpu.memref_slice %arg3[%arg0, %arg1, %select_n3A_619, %dma_start3A_625, %dma_start3A_626] : memref<2x16x80x2x128xi32, #tpu.memory_space<hbm>> -> memref<1x1x1x2x128xi32, #tpu.memory_space<hbm>>
      %dma_start3A_628 = tpu.memref_squeeze %dma_start3A_627 : memref<1x1x1x2x128xi32, #tpu.memory_space<hbm>> -> memref<2x128xi32, #tpu.memory_space<hbm>>
      %dma_start3A_629 = arith.constant 0 : i32
      %dma_start3A_630 = arith.constant 0 : i32
      %dma_start3A_631 = tpu.memref_slice %arg8[%dma_start3A_620, %dma_start3A_629, %dma_start3A_630] : memref<4x2x128xi32, #tpu.memory_space<vmem>> -> memref<1x2x128xi32, #tpu.memory_space<vmem>>
      %dma_start3A_632 = tpu.memref_squeeze %dma_start3A_631 : memref<1x2x128xi32, #tpu.memory_space<vmem>> -> memref<2x128xi32, #tpu.memory_space<vmem>>
      %dma_start3A_633 = arith.constant 0 : i32
      %dma_start3A_634 = arith.constant 0 : i32
      %dma_start3A_635 = tpu.memref_slice %arg3[%arg0, %arg1, %select_n3A_619, %dma_start3A_633, %dma_start3A_634] : memref<2x16x80x2x128xi32, #tpu.memory_space<hbm>> -> memref<1x1x1x2x128xi32, #tpu.memory_space<hbm>>
      %dma_start3A_636 = tpu.memref_squeeze %dma_start3A_635 : memref<1x1x1x2x128xi32, #tpu.memory_space<hbm>> -> memref<2x128xi32, #tpu.memory_space<hbm>>
      tpu.enqueue_dma source(%dma_start3A_636 : memref<2x128xi32, #tpu.memory_space<hbm>>) target(%dma_start3A_632 : memref<2x128xi32, #tpu.memory_space<vmem>>) target_semaphore(%arg20 : memref<!tpu.dma_semaphore, #tpu.memory_space<semaphore_mem>>)
      %add3A_637 = arith.constant 3 : i32
      %add3A_638 = arith.addi %mul3A_235, %add3A_637 : i32
      %add3A_639 = arith.constant 2 : i32
      %add3A_640 = arith.addi %add3A_638, %add3A_639 : i32
      %jit3A_641 = arith.constant 80 : i32
      %eq3A_642 = arith.constant 0 : i32
      %eq3A_643 = arith.cmpi eq, %jit3A_641, %eq3A_642 : i32
      %jit3A_644 = arith.constant 1 : i32
      %select_n3A_645 = arith.select %eq3A_643, %jit3A_644, %jit3A_641 : i32
      %rem3A_646 = arith.remsi %add3A_640, %select_n3A_645 : i32
      %ne3A_647 = arith.constant 0 : i32
      %ne3A_648 = arith.cmpi ne, %rem3A_646, %ne3A_647 : i32
      %lt3A_649 = arith.constant 0 : i32
      %lt3A_650 = arith.cmpi slt, %rem3A_646, %lt3A_649 : i32
      %lt3A_651 = arith.constant 0 : i32
      %lt3A_652 = arith.cmpi slt, %select_n3A_645, %lt3A_651 : i32
      %ne3A_653 = arith.xori %lt3A_650, %lt3A_652 : i1
      %and3A_654 = arith.andi %ne3A_653, %ne3A_648 : i1
      %add3A_655 = arith.addi %rem3A_646, %select_n3A_645 : i32
      %select_n3A_656 = arith.select %and3A_654, %add3A_655, %rem3A_646 : i32
      %dma_wait3A_657 = arith.constant 1 : i32
      %dma_wait3A_658 = arith.constant 0 : i32
      %dma_wait3A_659 = arith.constant 0 : i32
      %dma_wait3A_660 = tpu.memref_slice %arg8[%dma_wait3A_657, %dma_wait3A_658, %dma_wait3A_659] : memref<4x2x128xi32, #tpu.memory_space<vmem>> -> memref<1x2x128xi32, #tpu.memory_space<vmem>>
      %dma_wait3A_661 = tpu.memref_squeeze %dma_wait3A_660 : memref<1x2x128xi32, #tpu.memory_space<vmem>> -> memref<2x128xi32, #tpu.memory_space<vmem>>
      %dma_wait3A_662 = arith.constant 0 : i32
      %dma_wait3A_663 = arith.constant 0 : i32
      %dma_wait3A_664 = tpu.memref_slice %arg3[%arg0, %arg1, %select_n3A_656, %dma_wait3A_662, %dma_wait3A_663] : memref<2x16x80x2x128xi32, #tpu.memory_space<hbm>> -> memref<1x1x1x2x128xi32, #tpu.memory_space<hbm>>
      %dma_wait3A_665 = tpu.memref_squeeze %dma_wait3A_664 : memref<1x1x1x2x128xi32, #tpu.memory_space<hbm>> -> memref<2x128xi32, #tpu.memory_space<hbm>>
      %dma_wait3A_666 = arith.constant 0 : i32
      %dma_wait3A_667 = arith.constant 0 : i32
      %dma_wait3A_668 = tpu.memref_slice %arg8[%dma_wait3A_657, %dma_wait3A_666, %dma_wait3A_667] : memref<4x2x128xi32, #tpu.memory_space<vmem>> -> memref<1x2x128xi32, #tpu.memory_space<vmem>>
      %dma_wait3A_669 = tpu.memref_squeeze %dma_wait3A_668 : memref<1x2x128xi32, #tpu.memory_space<vmem>> -> memref<2x128xi32, #tpu.memory_space<vmem>>
      %dma_wait3A_670 = arith.constant 0 : i32
      %dma_wait3A_671 = arith.constant 0 : i32
      %dma_wait3A_672 = tpu.memref_slice %arg3[%arg0, %arg1, %select_n3A_656, %dma_wait3A_670, %dma_wait3A_671] : memref<2x16x80x2x128xi32, #tpu.memory_space<hbm>> -> memref<1x1x1x2x128xi32, #tpu.memory_space<hbm>>
      %dma_wait3A_673 = tpu.memref_squeeze %dma_wait3A_672 : memref<1x1x1x2x128xi32, #tpu.memory_space<hbm>> -> memref<2x128xi32, #tpu.memory_space<hbm>>
      tpu.wait_dma2 semaphore(%arg18 : memref<!tpu.dma_semaphore, #tpu.memory_space<semaphore_mem>>) src(%dma_wait3A_673 : memref<2x128xi32, #tpu.memory_space<hbm>>) dst(%dma_wait3A_669 : memref<2x128xi32, #tpu.memory_space<vmem>>)
      %dma_start3A_674 = arith.constant 1 : i32
      %dma_start3A_675 = arith.constant 0 : i32
      %dma_start3A_676 = arith.constant 0 : i32
      %dma_start3A_677 = tpu.memref_slice %arg8[%dma_start3A_674, %dma_start3A_675, %dma_start3A_676] : memref<4x2x128xi32, #tpu.memory_space<vmem>> -> memref<1x1x128xi32, #tpu.memory_space<vmem>>
      %dma_start3A_678 = tpu.memref_squeeze %dma_start3A_677 : memref<1x1x128xi32, #tpu.memory_space<vmem>> -> memref<128xi32, #tpu.memory_space<vmem>>
      %dma_start3A_679 = arith.constant 0 : i32
      %dma_start3A_680 = arith.constant 0 : i32
      %dma_start3A_681 = tpu.memref_slice %arg2[%dma_start3A_679, %dma_start3A_680] : memref<20000x128xf32, #tpu.memory_space<hbm>> -> memref<20000x128xf32, #tpu.memory_space<hbm>>
      tpu.enqueue_indirect_dma source(%dma_start3A_681 : memref<20000x128xf32, #tpu.memory_space<hbm>>) target(%arg10 : memref<128x128xf32, #tpu.memory_space<vmem>>) offsets(%dma_start3A_678 : memref<128xi32, #tpu.memory_space<vmem>>) semaphore(%arg14 : memref<!tpu.dma_semaphore, #tpu.memory_space<semaphore_mem>>)
    }
    %scan3A_171 = arith.constant 20 : i32
    %dma_wait3A_172 = arith.constant 0 : i32
    %dma_wait3A_173 = arith.constant 0 : i32
    %dma_wait3A_174 = arith.constant 0 : i32
    %dma_wait3A_175 = tpu.memref_slice %arg8[%dma_wait3A_172, %dma_wait3A_173, %dma_wait3A_174] : memref<4x2x128xi32, #tpu.memory_space<vmem>> -> memref<1x1x128xi32, #tpu.memory_space<vmem>>
    %dma_wait3A_176 = tpu.memref_squeeze %dma_wait3A_175 : memref<1x1x128xi32, #tpu.memory_space<vmem>> -> memref<128xi32, #tpu.memory_space<vmem>>
    %dma_wait3A_177 = arith.constant 0 : i32
    %dma_wait3A_178 = arith.constant 0 : i32
    %dma_wait3A_179 = tpu.memref_slice %arg2[%dma_wait3A_177, %dma_wait3A_178] : memref<20000x128xf32, #tpu.memory_space<hbm>> -> memref<20000x128xf32, #tpu.memory_space<hbm>>
    tpu.wait_indirect_dma semaphore(%arg13 : memref<!tpu.dma_semaphore, #tpu.memory_space<semaphore_mem>>) src(%dma_wait3A_179 : memref<20000x128xf32, #tpu.memory_space<hbm>>) dst(%arg9 : memref<128x128xf32, #tpu.memory_space<vmem>>)
    %dma_wait3A_180 = arith.constant 2 : i32
    %dma_wait3A_181 = arith.constant 2 : i32
    %dma_wait3A_182 = arith.constant 0 : i32
    %dma_wait3A_183 = arith.constant 0 : i32
    %dma_wait3A_184 = tpu.memref_slice %arg8[%dma_wait3A_181, %dma_wait3A_182, %dma_wait3A_183] : memref<4x2x128xi32, #tpu.memory_space<vmem>> -> memref<1x2x128xi32, #tpu.memory_space<vmem>>
    %dma_wait3A_185 = tpu.memref_squeeze %dma_wait3A_184 : memref<1x2x128xi32, #tpu.memory_space<vmem>> -> memref<2x128xi32, #tpu.memory_space<vmem>>
    %dma_wait3A_186 = arith.constant 0 : i32
    %dma_wait3A_187 = arith.constant 0 : i32
    %dma_wait3A_188 = tpu.memref_slice %arg3[%arg0, %arg1, %dma_wait3A_180, %dma_wait3A_186, %dma_wait3A_187] : memref<2x16x80x2x128xi32, #tpu.memory_space<hbm>> -> memref<1x1x1x2x128xi32, #tpu.memory_space<hbm>>
    %dma_wait3A_189 = tpu.memref_squeeze %dma_wait3A_188 : memref<1x1x1x2x128xi32, #tpu.memory_space<hbm>> -> memref<2x128xi32, #tpu.memory_space<hbm>>
    %dma_wait3A_190 = arith.constant 0 : i32
    %dma_wait3A_191 = arith.constant 0 : i32
    %dma_wait3A_192 = tpu.memref_slice %arg8[%dma_wait3A_181, %dma_wait3A_190, %dma_wait3A_191] : memref<4x2x128xi32, #tpu.memory_space<vmem>> -> memref<1x2x128xi32, #tpu.memory_space<vmem>>
    %dma_wait3A_193 = tpu.memref_squeeze %dma_wait3A_192 : memref<1x2x128xi32, #tpu.memory_space<vmem>> -> memref<2x128xi32, #tpu.memory_space<vmem>>
    %dma_wait3A_194 = arith.constant 0 : i32
    %dma_wait3A_195 = arith.constant 0 : i32
    %dma_wait3A_196 = tpu.memref_slice %arg3[%arg0, %arg1, %dma_wait3A_180, %dma_wait3A_194, %dma_wait3A_195] : memref<2x16x80x2x128xi32, #tpu.memory_space<hbm>> -> memref<1x1x1x2x128xi32, #tpu.memory_space<hbm>>
    %dma_wait3A_197 = tpu.memref_squeeze %dma_wait3A_196 : memref<1x1x1x2x128xi32, #tpu.memory_space<hbm>> -> memref<2x128xi32, #tpu.memory_space<hbm>>
    tpu.wait_dma2 semaphore(%arg19 : memref<!tpu.dma_semaphore, #tpu.memory_space<semaphore_mem>>) src(%dma_wait3A_197 : memref<2x128xi32, #tpu.memory_space<hbm>>) dst(%dma_wait3A_193 : memref<2x128xi32, #tpu.memory_space<vmem>>)
    %dma_wait3A_198 = arith.constant 1 : i32
    %dma_wait3A_199 = arith.constant 0 : i32
    %dma_wait3A_200 = arith.constant 0 : i32
    %dma_wait3A_201 = tpu.memref_slice %arg8[%dma_wait3A_198, %dma_wait3A_199, %dma_wait3A_200] : memref<4x2x128xi32, #tpu.memory_space<vmem>> -> memref<1x1x128xi32, #tpu.memory_space<vmem>>
    %dma_wait3A_202 = tpu.memref_squeeze %dma_wait3A_201 : memref<1x1x128xi32, #tpu.memory_space<vmem>> -> memref<128xi32, #tpu.memory_space<vmem>>
    %dma_wait3A_203 = arith.constant 0 : i32
    %dma_wait3A_204 = arith.constant 0 : i32
    %dma_wait3A_205 = tpu.memref_slice %arg2[%dma_wait3A_203, %dma_wait3A_204] : memref<20000x128xf32, #tpu.memory_space<hbm>> -> memref<20000x128xf32, #tpu.memory_space<hbm>>
    tpu.wait_indirect_dma semaphore(%arg14 : memref<!tpu.dma_semaphore, #tpu.memory_space<semaphore_mem>>) src(%dma_wait3A_205 : memref<20000x128xf32, #tpu.memory_space<hbm>>) dst(%arg10 : memref<128x128xf32, #tpu.memory_space<vmem>>)
    %dma_wait3A_206 = arith.constant 3 : i32
    %dma_wait3A_207 = arith.constant 3 : i32
    %dma_wait3A_208 = arith.constant 0 : i32
    %dma_wait3A_209 = arith.constant 0 : i32
    %dma_wait3A_210 = tpu.memref_slice %arg8[%dma_wait3A_207, %dma_wait3A_208, %dma_wait3A_209] : memref<4x2x128xi32, #tpu.memory_space<vmem>> -> memref<1x2x128xi32, #tpu.memory_space<vmem>>
    %dma_wait3A_211 = tpu.memref_squeeze %dma_wait3A_210 : memref<1x2x128xi32, #tpu.memory_space<vmem>> -> memref<2x128xi32, #tpu.memory_space<vmem>>
    %dma_wait3A_212 = arith.constant 0 : i32
    %dma_wait3A_213 = arith.constant 0 : i32
    %dma_wait3A_214 = tpu.memref_slice %arg3[%arg0, %arg1, %dma_wait3A_206, %dma_wait3A_212, %dma_wait3A_213] : memref<2x16x80x2x128xi32, #tpu.memory_space<hbm>> -> memref<1x1x1x2x128xi32, #tpu.memory_space<hbm>>
    %dma_wait3A_215 = tpu.memref_squeeze %dma_wait3A_214 : memref<1x1x1x2x128xi32, #tpu.memory_space<hbm>> -> memref<2x128xi32, #tpu.memory_space<hbm>>
    %dma_wait3A_216 = arith.constant 0 : i32
    %dma_wait3A_217 = arith.constant 0 : i32
    %dma_wait3A_218 = tpu.memref_slice %arg8[%dma_wait3A_207, %dma_wait3A_216, %dma_wait3A_217] : memref<4x2x128xi32, #tpu.memory_space<vmem>> -> memref<1x2x128xi32, #tpu.memory_space<vmem>>
    %dma_wait3A_219 = tpu.memref_squeeze %dma_wait3A_218 : memref<1x2x128xi32, #tpu.memory_space<vmem>> -> memref<2x128xi32, #tpu.memory_space<vmem>>
    %dma_wait3A_220 = arith.constant 0 : i32
    %dma_wait3A_221 = arith.constant 0 : i32
    %dma_wait3A_222 = tpu.memref_slice %arg3[%arg0, %arg1, %dma_wait3A_206, %dma_wait3A_220, %dma_wait3A_221] : memref<2x16x80x2x128xi32, #tpu.memory_space<hbm>> -> memref<1x1x1x2x128xi32, #tpu.memory_space<hbm>>
    %dma_wait3A_223 = tpu.memref_squeeze %dma_wait3A_222 : memref<1x1x1x2x128xi32, #tpu.memory_space<hbm>> -> memref<2x128xi32, #tpu.memory_space<hbm>>
    tpu.wait_dma2 semaphore(%arg20 : memref<!tpu.dma_semaphore, #tpu.memory_space<semaphore_mem>>) src(%dma_wait3A_223 : memref<2x128xi32, #tpu.memory_space<hbm>>) dst(%dma_wait3A_219 : memref<2x128xi32, #tpu.memory_space<vmem>>)
    %eq3A = arith.constant 0 : i32
    %eq3A_224 = arith.cmpi eq, %arg0, %eq3A : i32
    %convert_element_type3A = arith.extui %eq3A_224 : i1 to i32
    %cond3A = arith.constant 0 : i32
    %cond3A_225 = arith.cmpi ne, %convert_element_type3A, %cond3A : i32
    scf.if %cond3A_225 {
      "tpu.region"() ({
        %run_scoped3A = tpu.sem_alloc : memref<!tpu.dma_semaphore, #tpu.memory_space<semaphore_mem>>
        %dma_start3A_230 = arith.constant 0 : i32
        %dma_start3A_231 = tpu.memref_slice %arg7[%arg1, %dma_start3A_230] : memref<16x10240xf32, #tpu.memory_space<hbm>> -> memref<1x10240xf32, #tpu.memory_space<hbm>>
        %dma_start3A_232 = tpu.memref_squeeze %dma_start3A_231 : memref<1x10240xf32, #tpu.memory_space<hbm>> -> memref<10240xf32, #tpu.memory_space<hbm>>
        %dma_start3A_233 = arith.constant 0 : i32
        %dma_start3A_234 = tpu.memref_slice %arg7[%arg1, %dma_start3A_233] : memref<16x10240xf32, #tpu.memory_space<hbm>> -> memref<1x10240xf32, #tpu.memory_space<hbm>>
        %dma_start3A_235 = tpu.memref_squeeze %dma_start3A_234 : memref<1x10240xf32, #tpu.memory_space<hbm>> -> memref<10240xf32, #tpu.memory_space<hbm>>
        tpu.enqueue_dma source(%arg11 : memref<10240xf32, #tpu.memory_space<vmem>>) target(%dma_start3A_235 : memref<10240xf32, #tpu.memory_space<hbm>>) target_semaphore(%run_scoped3A : memref<!tpu.dma_semaphore, #tpu.memory_space<semaphore_mem>>)
        %dma_wait3A_236 = arith.constant 0 : i32
        %dma_wait3A_237 = tpu.memref_slice %arg7[%arg1, %dma_wait3A_236] : memref<16x10240xf32, #tpu.memory_space<hbm>> -> memref<1x10240xf32, #tpu.memory_space<hbm>>
        %dma_wait3A_238 = tpu.memref_squeeze %dma_wait3A_237 : memref<1x10240xf32, #tpu.memory_space<hbm>> -> memref<10240xf32, #tpu.memory_space<hbm>>
        %dma_wait3A_239 = arith.constant 0 : i32
        %dma_wait3A_240 = tpu.memref_slice %arg7[%arg1, %dma_wait3A_239] : memref<16x10240xf32, #tpu.memory_space<hbm>> -> memref<1x10240xf32, #tpu.memory_space<hbm>>
        %dma_wait3A_241 = tpu.memref_squeeze %dma_wait3A_240 : memref<1x10240xf32, #tpu.memory_space<hbm>> -> memref<10240xf32, #tpu.memory_space<hbm>>
        tpu.wait_dma2 semaphore(%run_scoped3A : memref<!tpu.dma_semaphore, #tpu.memory_space<semaphore_mem>>) src(%arg11 : memref<10240xf32, #tpu.memory_space<vmem>>) dst(%dma_wait3A_241 : memref<10240xf32, #tpu.memory_space<hbm>>)
        tpu.yield
      }) : () -> ()
    } else {
    }
    %barrier3A_226 = arith.constant 0 : index
    tpu.barrier barrier_id(%barrier3A_226)
    %mul3A = arith.constant 640 : i32
    %mul3A_227 = arith.muli %arg1, %mul3A : i32
    %mul3A_228 = arith.constant 640 : i32
    %mul3A_229 = arith.muli %arg1, %mul3A_228 : i32
    "tpu.region"() ({
      %run_scoped3A = tpu.sem_alloc : memref<!tpu.dma_semaphore, #tpu.memory_space<semaphore_mem>>
      %dma_start3A_230 = arith.constant 0 : i32
      %dma_start3A_231 = tpu.memref_slice %arg6[%arg0, %mul3A_229, %dma_start3A_230] : memref<2x10240x128xf32, #tpu.memory_space<hbm>> -> memref<1x640x128xf32, #tpu.memory_space<hbm>>
      %dma_start3A_232 = tpu.memref_squeeze %dma_start3A_231 : memref<1x640x128xf32, #tpu.memory_space<hbm>> -> memref<640x128xf32, #tpu.memory_space<hbm>>
      %dma_start3A_233 = arith.constant 0 : i32
      %dma_start3A_234 = tpu.memref_slice %arg12[%mul3A_227, %dma_start3A_233] : memref<10240x128xf32, #tpu.memory_space<vmem_shared>> -> memref<640x128xf32, #tpu.memory_space<vmem_shared>>
      tpu.enqueue_dma source(%dma_start3A_234 : memref<640x128xf32, #tpu.memory_space<vmem_shared>>) target(%dma_start3A_232 : memref<640x128xf32, #tpu.memory_space<hbm>>) target_semaphore(%run_scoped3A : memref<!tpu.dma_semaphore, #tpu.memory_space<semaphore_mem>>)
      %dma_wait3A_235 = arith.constant 0 : i32
      %dma_wait3A_236 = tpu.memref_slice %arg6[%arg0, %mul3A_229, %dma_wait3A_235] : memref<2x10240x128xf32, #tpu.memory_space<hbm>> -> memref<1x640x128xf32, #tpu.memory_space<hbm>>
      %dma_wait3A_237 = tpu.memref_squeeze %dma_wait3A_236 : memref<1x640x128xf32, #tpu.memory_space<hbm>> -> memref<640x128xf32, #tpu.memory_space<hbm>>
      %dma_wait3A_238 = arith.constant 0 : i32
      %dma_wait3A_239 = tpu.memref_slice %arg12[%mul3A_227, %dma_wait3A_238] : memref<10240x128xf32, #tpu.memory_space<vmem_shared>> -> memref<640x128xf32, #tpu.memory_space<vmem_shared>>
      tpu.wait_dma2 semaphore(%run_scoped3A : memref<!tpu.dma_semaphore, #tpu.memory_space<semaphore_mem>>) src(%dma_wait3A_239 : memref<640x128xf32, #tpu.memory_space<vmem_shared>>) dst(%dma_wait3A_237 : memref<640x128xf32, #tpu.memory_space<hbm>>)
      tpu.yield
    }) : () -> ()
    return
  }
}

module attributes {stable_mosaic.version = 14 : i64} {
  func.func @_tc_body(%arg0: i32, %arg1: memref<2x1024x128xf32, #tpu.memory_space<vmem>>, %arg2: memref<16x1024xf32, #tpu.memory_space<vmem>>, %arg3: memref<1024x256xf32, #tpu.memory_space<vmem>>, %arg4: memref<256x256xf32, #tpu.memory_space<vmem>>, %arg5: memref<256x256xf32, #tpu.memory_space<vmem>>, %arg6: memref<1x256xf32, #tpu.memory_space<vmem>>, %arg7: memref<1024x256xf32, #tpu.memory_space<vmem>>) attributes {dimension_semantics = [#tpu.dimension_semantics<arbitrary>], iteration_bounds = array<i64: 10>, scalar_prefetch = 0 : i64, scratch_operands = 0 : i64, tpu.core_type = #tpu.core_type<tc>, window_params = [{transform_indices = @transform_0, window_bounds = array<i64: 2, 1024, 128>}, {transform_indices = @transform_1, window_bounds = array<i64: 16, 1024>}, {transform_indices = @transform_2, window_bounds = array<i64: 1024, 256>}, {pipeline_mode = #tpu.pipeline_mode<synchronous>, transform_indices = @transform_3, window_bounds = array<i64: 256, 256>}, {pipeline_mode = #tpu.pipeline_mode<synchronous>, transform_indices = @transform_4, window_bounds = array<i64: 256, 256>}, {pipeline_mode = #tpu.pipeline_mode<synchronous>, transform_indices = @transform_5, window_bounds = array<i64: 1, 256>}, {transform_indices = @transform_6, window_bounds = array<i64: 1024, 256>}]} {
    %get3A = arith.constant 0 : index
    %get3A_0 = arith.constant 0 : index
    %get3A_1 = arith.constant 0 : index
    %get3A_2 = vector.load %arg1[%get3A, %get3A_0, %get3A_1] : memref<2x1024x128xf32, #tpu.memory_space<vmem>>, vector<1x1024x128xf32>
    %get3A_3 = vector.shape_cast %get3A_2 : vector<1x1024x128xf32> to vector<1024x128xf32>
    %get3A_4 = arith.constant 1 : index
    %get3A_5 = arith.constant 0 : index
    %get3A_6 = arith.constant 0 : index
    %get3A_7 = vector.load %arg1[%get3A_4, %get3A_5, %get3A_6] : memref<2x1024x128xf32, #tpu.memory_space<vmem>>, vector<1x1024x128xf32>
    %get3A_8 = vector.shape_cast %get3A_7 : vector<1x1024x128xf32> to vector<1024x128xf32>
    %get3A_9 = arith.constant 0 : index
    %get3A_10 = arith.constant 0 : index
    %get3A_11 = vector.load %arg2[%get3A_9, %get3A_10] : memref<16x1024xf32, #tpu.memory_space<vmem>>, vector<16x1024xf32>
    %reduce_sum3A = arith.constant dense<0.000000e+00> : vector<1024xf32>
    %reduce_sum3A_12 = vector.multi_reduction <add>, %get3A_11, %reduce_sum3A [0] : vector<16x1024xf32> to vector<1024xf32>
    %broadcast_in_dim3A = vector.shape_cast %reduce_sum3A_12 : vector<1024xf32> to vector<1x1024xf32>
    %max3A = arith.constant 1.000000e+00 : f32
    %max3A_13 = vector.broadcast %max3A : f32 to vector<1x1024xf32>
    %max3A_14 = arith.maximumf %broadcast_in_dim3A, %max3A_13 : vector<1x1024xf32>
    %div3A = arith.constant 1.000000e+00 : f32
    %div3A_15 = vector.broadcast %div3A : f32 to vector<1x1024xf32>
    %div3A_16 = arith.divf %div3A_15, %max3A_14 : vector<1x1024xf32>
    %reshape3A = vector.shape_cast %div3A_16 : vector<1x1024xf32> to vector<1024x1xf32>
    %concatenate3A = tpu.concatenate %get3A_3, %get3A_8 in 1 : vector<1024x128xf32>, vector<1024x128xf32> -> vector<1024x256xf32>
    %mul3A = vector.broadcast %reshape3A : vector<1024x1xf32> to vector<1024x256xf32>
    %mul3A_17 = arith.mulf %concatenate3A, %mul3A : vector<1024x256xf32>
    %get3A_18 = arith.constant 0 : index
    %get3A_19 = arith.constant 0 : index
    %get3A_20 = vector.load %arg4[%get3A_18, %get3A_19] : memref<256x256xf32, #tpu.memory_space<vmem>>, vector<256x256xf32>
    %dot_general3A = arith.constant dense<0.000000e+00> : vector<1024x256xf32>
    %dot_general3A_21 = tpu.matmul %mul3A_17, %get3A_20, %dot_general3A {dimension_numbers = #tpu.dot_dimension_numbers<[1], [0], [0], [1], [0, 0, 1, 1], [], []>, transpose_lhs_hint = false} : vector<1024x256xf32>, vector<256x256xf32>, vector<1024x256xf32> -> vector<1024x256xf32>
    %get3A_22 = arith.constant 0 : index
    %get3A_23 = arith.constant 0 : index
    %get3A_24 = vector.load %arg3[%get3A_22, %get3A_23] : memref<1024x256xf32, #tpu.memory_space<vmem>>, vector<1024x256xf32>
    %get3A_25 = arith.constant 0 : index
    %get3A_26 = arith.constant 0 : index
    %get3A_27 = vector.load %arg5[%get3A_25, %get3A_26] : memref<256x256xf32, #tpu.memory_space<vmem>>, vector<256x256xf32>
    %dot_general3A_28 = arith.constant dense<0.000000e+00> : vector<1024x256xf32>
    %dot_general3A_29 = tpu.matmul %get3A_24, %get3A_27, %dot_general3A_28 {dimension_numbers = #tpu.dot_dimension_numbers<[1], [0], [0], [1], [0, 0, 1, 1], [], []>, transpose_lhs_hint = false} : vector<1024x256xf32>, vector<256x256xf32>, vector<1024x256xf32> -> vector<1024x256xf32>
    %add3A = arith.addf %dot_general3A_21, %dot_general3A_29 : vector<1024x256xf32>
    %get3A_30 = arith.constant 0 : index
    %get3A_31 = arith.constant 0 : index
    %get3A_32 = vector.load %arg6[%get3A_30, %get3A_31] : memref<1x256xf32, #tpu.memory_space<vmem>>, vector<1x256xf32>
    %add3A_33 = vector.broadcast %get3A_32 : vector<1x256xf32> to vector<1024x256xf32>
    %add3A_34 = arith.addf %add3A, %add3A_33 : vector<1024x256xf32>
    %swap3A = arith.constant 0 : index
    %swap3A_35 = arith.constant 0 : index
    %swap3A_36 = vector.load %arg7[%swap3A, %swap3A_35] : memref<1024x256xf32, #tpu.memory_space<vmem>>, vector<1024x256xf32>
    tpu.vector_store %arg7[%swap3A, %swap3A_35], %add3A_34 {strides = array<i32>} : memref<1024x256xf32, #tpu.memory_space<vmem>>, vector<1024x256xf32>,
    return
  }
  func.func @transform_0(%arg0: i32) -> (i32, i32, i32) {
    %c0_i32 = arith.constant 0 : i32
    %c0_i32_0 = arith.constant 0 : i32
    %c0_i32_1 = arith.constant 0 : i32
    return %c0_i32, %arg0, %c0_i32_0 : i32, i32, i32
  }
  func.func @transform_1(%arg0: i32) -> (i32, i32) {
    %c0_i32 = arith.constant 0 : i32
    %c0_i32_0 = arith.constant 0 : i32
    return %c0_i32, %arg0 : i32, i32
  }
  func.func @transform_2(%arg0: i32) -> (i32, i32) {
    %c0_i32 = arith.constant 0 : i32
    %c0_i32_0 = arith.constant 0 : i32
    return %arg0, %c0_i32 : i32, i32
  }
  func.func @transform_3(%arg0: i32) -> (i32, i32) {
    %c0_i32 = arith.constant 0 : i32
    %c0_i32_0 = arith.constant 0 : i32
    %c0_i32_1 = arith.constant 0 : i32
    return %c0_i32, %c0_i32_0 : i32, i32
  }
  func.func @transform_4(%arg0: i32) -> (i32, i32) {
    %c0_i32 = arith.constant 0 : i32
    %c0_i32_0 = arith.constant 0 : i32
    %c0_i32_1 = arith.constant 0 : i32
    return %c0_i32, %c0_i32_0 : i32, i32
  }
  func.func @transform_5(%arg0: i32) -> (i32, i32) {
    %c0_i32 = arith.constant 0 : i32
    %c0_i32_0 = arith.constant 0 : i32
    %c0_i32_1 = arith.constant 0 : i32
    return %c0_i32, %c0_i32_0 : i32, i32
  }
  func.func @transform_6(%arg0: i32) -> (i32, i32) {
    %c0_i32 = arith.constant 0 : i32
    %c0_i32_0 = arith.constant 0 : i32
    return %arg0, %c0_i32 : i32, i32
  }
}

</mosaic_0001>

<sc_bundles>
// kernel: kernel.4.cloned.1.call-start
scs
__scs_entry_jumppad:
0x0: {  	(pc) =	sbr.rel $0x88, $3  }
0x1: {  	(tag) =	ssettag $0x0;
	lr =	simm.s32 $0x1  }
0x2: {  	[smem:$0x3F9C] =	sst lr;
	_ =	strace $0xD0000000  }
0x3: {  	_ = 	snop  }
0x4: {  	_ = 	snop  }
0x5: {  	_ = 	snop  }
0x6: {  	_ = 	snop  }
0x7: {  	_ = 	snop  }
__scs_overlays_trampoline_lowered:
0x8: {  	[smem:$0x3FAB] =	sst s0  }
0x9: {  	[smem:$0x3FAC] =	sst s1  }
0xa: {  	[smem:$0x3FAD] =	sst s2  }
0xb: {  	[smem:$0x3FAE] =	sst s3  }
0xc: {  	[smem:$0x3FAF] =	sst s4  }
0xd: {  	[smem:$0x3FB0] =	sst s5  }
0xe: {  	[smem:$0x3FB1] =	sst s6  }
0xf: {  	[smem:$0x3FB2] =	sst s7  }
0x10: {  	[smem:$0x3FB3] =	sst s8  }
0x11: {  	[smem:$0x3FB4] =	sst s9;
	s0 =	simm.s32 @!p0 $0x0  }
0x12: {  	s1 =	sld [smem:$0x3F9A];
	s0 =	simm.s32 @p0 $0x1  }
0x13: {  	[smem:$0x3FB5] =	sst s0;
	s0 =	simm.s32 @!p1 $0x0  }
0x14: {  	s2 =	sld [smem:$0x3F99];
	s0 =	simm.s32 @p1 $0x1  }
0x15: {  	[smem:$0x3FB6] =	sst s0;
	s0 =	simm.s32 @!p2 $0x0  }
0x16: {  	s3 =	sld [smem:$0x3FDB];
	s0 =	simm.s32 @p2 $0x1  }
0x17: {  	s4 =	simm.s32 $0x1BF5;
	[smem:$0x3FB8] =	sst s0  }
0x18: {  	s0 =	sld [smem:$0x3F9B];
	_ =	swait.ge [sflag:s4], $0x0  }
0x19: {  	s7 =	sld [smem:$0x3F9C]  }
0x1a: {  	s8 =	sadd.s32 $0xFFFFE003, lr  }
0x1b: {  	s9 =	sadd.s32 $0xFFFFFEF7, lr;
	s5 =	simm.s32 $0xFFFFFFFF;
	p2 =	slt.u32 s8, $0xFFFFF086  }
0x1c: {  	p1 =	slt.u32 s9, $0xF7A;
	s5 =	simm.s32 @!p2 $0x0  }
0x1d: {  	s5 =	simm.s32 @p1 $0x1;
	p0 =	seq.s32 s7, s2  }
0x1e: {  	s7 =	smul.u32 @!p0 $0xF7A, s2;
	p2 =	seq.s32 @!p0 s5, $0x0  }
0x1f: {  	s9 =	smul.u32 $0xF7A, s1;
	s8 =	simm.s32 @!p0 $0x1BF5;
	p2 =	por !p2, p0  }
0x20: {  	[sflag:s8] =	ssyncset.s32 @!p0 $0xFFFFF086;
	s6 =	sadd.s32 @!p0 s3, s7;
	s7 =	simm.s32 @!p0 $0x108  }
0x21: {  	s3 =	sadd.s32 s3, s9;
	s6 =	sadd.s32 @!p0 $0x88, s6;
	s7 =	simm.s32 @p2 $0x1082  }
0x22: {  	[simem:s7], [sflag:s8] =	dma.local @!p0 [hbm:s6], $0xF7A  }
0x23: {  	s9 =	sor.u32 $0xD0000000, s2;
	s6 =	simm.s32 $0x108;
	_ =	swait.ge @!p0 [sflag:s8], $0x0  }
0x24: {  	s3 =	sadd.s32 $0x88, s3;
	s6 =	simm.s32 @!p1 $0x1082;
	[sflag:s4] =	ssyncset.s32 $0xFFFFF086  }
0x25: {  	[simem:s6], [sflag:s4] =	dma.local [hbm:s3], $0xF7A  }
0x26: {  	[smem:$0x3F9C] =	sst s1;
	(tag) =	ssettag s2;
	_ =	strace s9  }
0x27: {  	s1 =	sld [smem:$0x3FAC]  }
0x28: {  	s2 =	sld [smem:$0x3FAD]  }
0x29: {  	s4 =	sld [smem:$0x3FAF]  }
0x2a: {  	p0 =	seq.s32 s5, $0x0;
	s5 =	sld [smem:$0x3FB0]  }
0x2b: {  	s6 =	sld [smem:$0x3FB1]  }
0x2c: {  	s7 =	sld [smem:$0x3FB2]  }
0x2d: {  	s3 =	simm.s32 $0x108;
	s8 =	sld [smem:$0x3FB3]  }
0x2e: {  	s3 =	simm.s32 @!p0 $0x1082;
	s9 =	sld [smem:$0x3FB4]  }
0x2f: {  	lr =	sadd.s32 s0, s3;
	s0 =	sld [smem:$0x3FAB]  }
0x30: {  	s3 =	sld [smem:$0x3FAE]  }
0x31: {  	[smem:$0x3FB7] =	sst s10  }
0x32: {  	s10 =	sld [smem:$0x3FB5];
	_ =	sdelay $0x3  }
0x33: {  	p0 =	seq.s32 s10, $0x1;
	s10 =	sld [smem:$0x3FB7];
	_ =	sdelay $0x3  }
0x34: {  	[smem:$0x3FB7] =	sst s10  }
0x35: {  	s10 =	sld [smem:$0x3FB6];
	_ =	sdelay $0x3  }
0x36: {  	p1 =	seq.s32 s10, $0x1;
	s10 =	sld [smem:$0x3FB7];
	_ =	sdelay $0x3  }
0x37: {  	[smem:$0x3FB7] =	sst s10  }
0x38: {  	s10 =	sld [smem:$0x3FB8]  }
0x39: {  	_ = 	snop;
	(pc) =	sbr.ind lr, $3  }
0x3a: {  	_ = 	snop  }
0x3b: {  	_ = 	snop  }
0x3c: {  	p2 =	seq.s32 s10, $0x1;
	s10 =	sld [smem:$0x3FB7]  }
0x3d: {  	_ =	shalt  }
0x3e: {  	_ =	shalt  }
0x3f: {  	_ =	shalt  }
0x40: {  	_ =	shalt  }
0x41: {  	_ =	shalt  }
0x42: {  	_ =	shalt  }
0x43: {  	_ =	shalt  }
0x44: {  	_ =	shalt  }
0x45: {  	_ =	shalt  }
0x46: {  	_ =	shalt  }
0x47: {  	_ =	shalt  }
0x48: {  	_ =	shalt  }
0x49: {  	_ =	shalt  }
0x4a: {  	_ =	shalt  }
0x4b: {  	_ =	shalt  }
0x4c: {  	_ =	shalt  }
0x4d: {  	_ =	shalt  }
0x4e: {  	_ =	shalt  }
0x4f: {  	_ =	shalt  }
0x50: {  	_ =	shalt  }
0x51: {  	_ =	shalt  }
0x52: {  	_ =	shalt  }
0x53: {  	_ =	shalt  }
0x54: {  	_ =	shalt  }
0x55: {  	_ =	shalt  }
0x56: {  	_ =	shalt  }
0x57: {  	_ =	shalt  }
0x58: {  	_ =	shalt  }
0x59: {  	_ =	shalt  }
0x5a: {  	_ =	shalt  }
0x5b: {  	_ =	shalt  }
0x5c: {  	_ =	shalt  }
0x5d: {  	_ =	shalt  }
0x5e: {  	_ =	shalt  }
0x5f: {  	_ =	shalt  }
0x60: {  	_ =	shalt  }
0x61: {  	_ =	shalt  }
0x62: {  	_ =	shalt  }
0x63: {  	_ =	shalt  }
0x64: {  	_ =	shalt  }
0x65: {  	_ =	shalt  }
0x66: {  	_ =	shalt  }
0x67: {  	_ =	shalt  }
0x68: {  	_ =	shalt  }
0x69: {  	_ =	shalt  }
0x6a: {  	_ =	shalt  }
0x6b: {  	_ =	shalt  }
0x6c: {  	_ =	shalt  }
0x6d: {  	_ =	shalt  }
0x6e: {  	_ =	shalt  }
0x6f: {  	_ =	shalt  }
0x70: {  	_ =	shalt  }
0x71: {  	_ =	shalt  }
0x72: {  	_ =	shalt  }
0x73: {  	_ =	shalt  }
0x74: {  	_ =	shalt  }
0x75: {  	_ =	shalt  }
0x76: {  	_ =	shalt  }
0x77: {  	_ =	shalt  }
0x78: {  	_ =	shalt  }
0x79: {  	_ =	shalt  }
0x7a: {  	_ =	shalt  }
0x7b: {  	_ =	shalt  }
0x7c: {  	_ =	shalt  }
0x7d: {  	_ =	shalt  }
0x7e: {  	_ =	shalt  }
0x7f: {  	_ =	shalt  }
0x80: {  	_ =	shalt  }
0x81: {  	_ =	shalt  }
0x82: {  	_ =	shalt  }
0x83: {  	_ =	shalt  }
0x84: {  	_ =	shalt  }
0x85: {  	_ =	shalt  }
0x86: {  	_ =	shalt  }
0x87: {  	_ =	shalt  }
.Lfunc_end0:
.L_simem_size_0:
called_computation_lowered:
.L_overlay_start_0:
0x88: {  	s2 =	sld [smem:$0x3FD9]  }
0x89: {  	s3 =	sld [smem:$0x3FFE];
	_ =	sdelay $0x1  }
0x8a: {  	s1 =	srdreg.scid  }
0x8b: {  	s0 =	sand.u32 $0x1, s1  }
0x8c: {  	s17 =	sshll.u32 s0, $0xA;
	s2 =	sadd.s32 s3, s2  }
0x8d: {  	s2 =	sadd.s32 s2, s17  }
0x8e: {  	[smem:$0x3FC3] =	sst s2  }
0x8f: {  	_ = 	snop  }
0x90: {  	s2 =	sld [smem:$0x3FD0];
	(tm) =	ssettm $0x1  }
0x91: {  	s18 =	sld [smem:$0x3FFB];
	_ =	sdelay $0x3  }
0x92: {  	_ =	strace s18  }
0x93: {  	s3 =	sld [smem:$0x3FFC];
	_ =	sdelay $0x3  }
0x94: {  	_ =	strace s3  }
0x95: {  	s3 =	sld [smem:$0x3FFD];
	_ =	sdelay $0x3  }
0x96: {  	_ =	strace s3  }
0x97: {  	_ =	strace $0x8FFFFFFF  }
0x98: {  	s19 =	sld [smem:$0x3FDB];
	_ =	sdelay $0x1  }
0x99: {  	s4 =	simm.s32 $_scs_section_size  }
0x9a: {  	s5 =	simm.s32 $_size__tile_overlayer_lowered;
	s6 =	simm.s32 $_tile_overlayer_lowered  }
0x9b: {  	s22 =	simm.s32 $0x1BFF;
	s21 =	sshll.u32 s6, $0x1;
	s3 =	sadd.s32 s4, s19  }
0x9c: {  	s7 =	simm.s32 $0x0;
	s20 =	sshll.u32 s5, $0x1;
	s5 =	sadd.s32 s21, s3  }
0x9d: {  	[timem:s7], [sflag:s22] =	dma.local [hbm:s5], s20  }
0x9e: {  	_ =	swait.ge [sflag:s22], s20  }
0x9f: {  	s4 =	ssub.s32 $0x0, s20;
	[sflag:s22] =	ssyncset.done $0x0  }
0xa0: {  	[sflag:s22] =	ssyncadd.s32 s4;
	_ =	sdelay $0x1  }
0xa1: {  	s23 =	simm.s32 $0x1B8B  }
0xa2: {  	_ =	swait.ge [sflag:s23], $0x1  }
0xa3: {  	[sflag:s23] =	ssyncset.done $0x0  }
0xa4: {  	s25 =	simm.s32 $0x1B8E;
	s24 =	sld [smem:$0x3FFE];
	[sflag:s23] =	ssyncadd.s32 $0xFFFFFFFF  }
0xa5: {  	s26 =	simm.s32 $execute0_lowered;
	[smem:$0x3FD2] =	sst s25  }
0xa6: {  	s5 =	sshll.u32 s26, $0x1;
	_ =	strace $0x80000046;
	[dreg:$0x1] =	wrdreg $0xFFFFFFFF  }
0xa7: {  	s28 =	simm.s32 $_size_execute0_lowered;
	s3 =	sadd.s32 s3, s5;
	[dreg:$0x0] =	wrdreg $0x0  }
0xa8: {  	s5 =	sshll.u32 s28, $0x1;
	[dreg:$0x2] =	wrdreg s3  }
0xa9: {  	[dreg:$0x3] =	wrdreg s5  }
0xaa: {  	[dreg:$0x4] =	wrdreg $0xC0  }
0xab: {  	_ =	task [dreg:s7], $0x5FFFF  }
0xac: {  	[dreg:$0x1] =	wrdreg $0xFFFFFFFF  }
0xad: {  	[dreg:$0x0] =	wrdreg $0x60  }
0xae: {  	[dreg:$0x2] =	wrdreg s2  }
0xaf: {  	[dreg:$0x3] =	wrdreg s24  }
0xb0: {  	[dreg:$0x4] =	wrdreg $0xAC000  }
0xb1: {  	[dreg:$0x5] =	wrdreg $0x9  }
0xb2: {  	_ =	task.clear_ibuf [dreg:s7], $0x6FFFF;
	_ =	strace $0x90000046  }
0xb3: {  	s29 =	simm.s32 $0x9;
	_ =	strace $0x80000048  }
0xb4: {  	_ =	swait.ge [sflag:s29], $0x1  }
0xb5: {  	[sflag:s29] =	ssyncadd.s32 $0xFFFFFFFF  }
0xb6: {  	_ =	strace $0x90000048  }
0xb7: {  	_ =	sfence  }
0xb8: {  	s30 =	sld [smem:$0x0];
	_ =	sdelay $0x2  }
0xb9: {  	s31 =	sshll.u32 s1, $0xD;
	s1 =	sshrl.u32 s1, $0x2  }
0xba: {  	s3 =	sand.u32 $0x4000, s31;
	s1 =	sadd.s32 s1, s30  }
0xbb: {  	s0 =	sor.u32 s3, s0;
	s1 =	sshll.u32 s1, $0x11  }
0xbc: {  	s0 =	sor.u32 s1, s0  }
0xbd: {  	s0 =	sadd.s32 $0x8F2B, s0  }
0xbe: {  	[sflag:s0] =	ssyncadd.remote.s32 $0x1  }
0xbf: {  	_ =	sfence.sel $0xFFFF  }
0xc0: {  	[dreg:$0x0] =	wrdreg $0xFFFFFFFF;
	(pc) =	sbr.abs _section_cstart, $3  }
0xc1: {  	[dreg:$0x1] =	wrdreg $0xFFFFFFFF  }
0xc2: {  	_ =	task.clear_ibuf [dreg:s7], $0x2FFFF;
	_ =	strace $0x9FFFFFFF  }
0xc3: {  	(tm) =	ssettm $0x7FFFFFFF  }
tec
execute0_lowered:
.L_overlay_start_1:
0x0: {  	(tag) =	ssettag $0x1  }
0x1: {  	s1 =	rddreg [dreg:$0x0]  }
0x2: {  	s0 =	rddreg [dreg:$0x1]  }
0x3: {  	s2 =	rddreg [dreg:$0x2];
	s3 =	srdreg.scid  }
0x4: {  	s4 =	simm.s32 $0x0;
	s13 =	stileid.u32;
	s24 =	simm.s32 $0x180  }
0x5: {  	s31 =	simm.s32 $0x1;
	s28 =	simm.s32 $0x80;
	s7 =	smul.u32 $0x14000, s13  }
0x6: {  	s29 =	simm.s32 $0x6;
	s3 =	sand.u32 $0x1, s3;
	s11 =	smul.u32 $0x5000, s13  }
0x7: {  	s5 =	sshrl.u32 s13, $0x3;
	s10 =	sshll.u32 s13, $0x7;
	s13 =	smul.u32 $0x50000, s13  }
0x8: {  	s30 =	simm.s32 $0x4400;
	[smem:$0x7FF] =	sst s4;
	s6 =	smul.u32 $0x140000, s3  }
0x9: {  	s9 =	sadd.s32 $0x15A00, s0;
	_ =	strace $0x80000047;
	s8 =	smul.u32 $0x14000, s5  }
0xa: {  	s5 =	sadd.s32 $0x1800, s0;
	[dreg:$0x7] =	wrdreg s9;
	s25 =	smul.u32 $0x50000, s3  }
0xb: {  	s10 =	sand.u32 $0x380, s10;
	s26 =	ssub.s32 $0x2, s3;
	[dreg:$0x4] =	wrdreg s24  }
0xc: {  	s24 =	simm.s32 $0x400;
	p0 =	sne.s32 s3, $0x0;
	s3 =	simm.s32 $0x9  }
0xd: {  	s12 =	sshrl.u32 s26, $0x1;
	s18 =	sshrl.u32 s13, $0x2;
	s6 =	sadd.s32 s7, s6  }
0xe: {  	s7 =	sadd.s32 $0x15800, s0;
	s10 =	sor.u32 s10, s8;
	s8 =	sadd.s32 s11, s25  }
0xf: {  	s14 =	ssub.s32 s26, s12;
	s13 =	sadd.s32 s18, s2;
	s25 =	simm.s32 $0x280  }
0x10: {  	s26 =	simm.s32 $0x380;
	s11 =	simm.s32 $0x4;
	s12 =	simm.s32 $0x8  }
0x11: {  	s6 =	sshrl.u32 s6, $0x3;
	s10 =	sshrl.u32 s10, $0x3;
	s9 =	sshrl.u32 s8, $0x3  }
0x12: {  	s20 =	smax.u32 s14, $0x1;
	s21 =	sadd.s32 $0x4000, s13;
	[dreg:$0x5] =	wrdreg s25  }
0x13: {  	s22 =	sadd.s32 $0x8000, s13;
	s23 =	sadd.s32 $0xC000, s13;
	[dreg:$0x6] =	wrdreg s26  }
0x14: {  	s25 =	simm.s32 $0x8400;
	s26 =	simm.s32 $0x5;
	[dreg:$0xd] =	wrdreg s20  }
0x15: {  	s14 =	simm.s32 $0x0;
	s6 =	sadd.s32 s6, s0;
	[dreg:$0xe] =	wrdreg s21  }
0x16: {  	s9 =	sadd.s32 s5, s9;
	s0 =	sadd.s32 s10, s0;
	[dreg:$0xf] =	wrdreg s22  }
0x17: {  	[dreg:$0x10] =	wrdreg s23;
	s20 =	sadd.s32 $0x10000, s13;
	s15 =	sadd.s32 $0x20, s9  }
0x18: {  	s21 =	simm.s32 $0x100;
	s16 =	sadd.s32 $0x40, s9;
	[dreg:$0x8] =	wrdreg s15  }
0x19: {  	s22 =	simm.s32 $0x200;
	s17 =	sadd.s32 $0x60, s9;
	[dreg:$0x9] =	wrdreg s16  }
0x1a: {  	s23 =	simm.s32 $0x300;
	s0 =	sadd.s32 $0x66200, s0;
	[dreg:$0xa] =	wrdreg s17  }
0x1b: {  	s10 =	simm.s32 $0x7;
	s19 =	sadd.s32 $0x16200, s6;
	[dreg:$0xb] =	wrdreg s0  }
0x1c: {  	v0 =	vimm.f32 $1.000000000e+00;
	s6 =	simm.s32 $0x3;
	[dreg:$0xc] =	wrdreg s19;
	s0 =	simm.s32 $0x2  }
.LBB2_1:
0x1d: {  	[tilespmem:s4], [sflag:$0x5] =	stream.linear.gather [hbm4b:s9+s4], $0x100, $0x38;
	[tilespmem:$0x1EC00] =	vst v63  }
0x1e: {  	s15 =	rddreg [dreg:$0x8]  }
0x1f: {  	[tilespmem:s21], [sflag:$0x6] =	stream.linear.gather [hbm4b:s15+s4], $0x100, $0x38;
	[tilespmem:$0x1EC00] =	vst v63  }
0x20: {  	s18 =	rddreg [dreg:$0x9]  }
0x21: {  	[tilespmem:s22], [sflag:$0x7] =	stream.linear.gather [hbm4b:s18+s4], $0x100, $0x38;
	[tilespmem:$0x1EC00] =	vst v63  }
0x22: {  	s19 =	rddreg [dreg:$0xa]  }
0x23: {  	[tilespmem:s23], [sflag:$0x8] =	stream.linear.gather [hbm4b:s19+s4], $0x100, $0x38;
	[tilespmem:$0x1EC00] =	vst v63  }
0x24: {  	s16 =	rddreg [dreg:$0x7]  }
0x25: {  	[tilespmem:s24], [sflag:$0x1] =	stream.linear.gather [hbm4b:s16+s4], $0x4000, $0x38;
	[tilespmem:$0x1EC00] =	vst v63  }
0x26: {  	_ = 	snop  }
0x27: {  	[tilespmem:s25], [sflag:$0x2] =	stream.linear.gather [hbm4b:s7+s4], $0x800, $0x38;
	[tilespmem:$0x1EC00] =	vst v63  }
0x28: {  	s17 =	simm.s32 $0x8C00  }
0x29: {  	[tilespmem:s17], [sflag:$0x2] =	stream.linear.gather [hbm4b:s7+s4], $0x800, $0x38;
	[tilespmem:$0x1EC00] =	vst v63  }
0x2a: {  	s18 =	simm.s32 $0x9400  }
0x2b: {  	[tilespmem:s18], [sflag:$0x2] =	stream.linear.gather [hbm4b:s7+s4], $0x800, $0x38;
	[tilespmem:$0x1EC00] =	vst v63  }
0x2c: {  	s19 =	simm.s32 $0x9C00  }
0x2d: {  	[tilespmem:s19], [sflag:$0x2] =	stream.linear.gather [hbm4b:s7+s4], $0x800, $0x38;
	[tilespmem:$0x1EC00] =	vst v63  }
0x2e: {  	s16 =	simm.s32 $0xA400  }
0x2f: {  	[tilespmem:s16], [sflag:$0x2] =	stream.linear.gather [hbm4b:s7+s4], $0x800, $0x38;
	[tilespmem:$0x1EC00] =	vst v63  }
0x30: {  	_ =	swait.ge [sflag:s31], $0x4000  }
0x31: {  	[sflag:s31] =	ssyncset.done $0x0  }
0x32: {  	[sflag:s31] =	ssyncadd.s32 $0xFFFFC000  }
0x33: {  	_ =	swait.ge [sflag:s0], $0x800  }
0x34: {  	[sflag:s0] =	ssyncset.done $0x0  }
0x35: {  	[sflag:s0] =	ssyncadd.s32 $0xFFFFF800  }
0x36: {  	_ =	swait.ge [sflag:s0], $0x800  }
0x37: {  	[sflag:s0] =	ssyncset.done $0x0  }
0x38: {  	[sflag:s0] =	ssyncadd.s32 $0xFFFFF800  }
0x39: {  	_ =	swait.ge [sflag:s0], $0x800  }
0x3a: {  	[sflag:s0] =	ssyncset.done $0x0  }
0x3b: {  	[sflag:s0] =	ssyncadd.s32 $0xFFFFF800  }
0x3c: {  	_ =	swait.ge [sflag:s0], $0x800  }
0x3d: {  	[sflag:s0] =	ssyncset.done $0x0  }
0x3e: {  	[sflag:s0] =	ssyncadd.s32 $0xFFFFF800  }
0x3f: {  	_ =	swait.ge [sflag:s0], $0x800  }
0x40: {  	[sflag:s0] =	ssyncset.done $0x0  }
0x41: {  	[sflag:s0] =	ssyncadd.s32 $0xFFFFF800  }
0x42: {  	[spmem:s13] =	stream.linear.scatter [tilespmem:s24], [sflag:$0x9], $0x4000, $0x38;
	[tilespmem:$0x1EC00] =	vst v63  }
0x43: {  	_ =	swait.ge [sflag:s3], $0x4000  }
0x44: {  	[sflag:s3] =	ssyncset.done $0x0  }
0x45: {  	s17 =	rddreg [dreg:$0xe];
	[sflag:s3] =	ssyncadd.s32 $0xFFFFC000  }
0x46: {  	[spmem:s17] =	stream.linear.scatter [tilespmem:s24], [sflag:$0x9], $0x4000, $0x38;
	[tilespmem:$0x1EC00] =	vst v63  }
0x47: {  	_ =	swait.ge [sflag:s3], $0x4000  }
0x48: {  	[sflag:s3] =	ssyncset.done $0x0  }
0x49: {  	s18 =	rddreg [dreg:$0xf];
	[sflag:s3] =	ssyncadd.s32 $0xFFFFC000  }
0x4a: {  	[spmem:s18] =	stream.linear.scatter [tilespmem:s24], [sflag:$0x9], $0x4000, $0x38;
	[tilespmem:$0x1EC00] =	vst v63  }
0x4b: {  	_ =	swait.ge [sflag:s3], $0x4000  }
0x4c: {  	[sflag:s3] =	ssyncset.done $0x0  }
0x4d: {  	s19 =	rddreg [dreg:$0x10];
	[sflag:s3] =	ssyncadd.s32 $0xFFFFC000  }
0x4e: {  	[spmem:s19] =	stream.linear.scatter [tilespmem:s24], [sflag:$0x9], $0x4000, $0x38;
	[tilespmem:$0x1EC00] =	vst v63  }
0x4f: {  	_ =	swait.ge [sflag:s3], $0x4000  }
0x50: {  	[sflag:s3] =	ssyncset.done $0x0  }
0x51: {  	[sflag:s3] =	ssyncadd.s32 $0xFFFFC000  }
0x52: {  	[spmem:s20] =	stream.linear.scatter [tilespmem:s24], [sflag:$0x9], $0x4000, $0x38;
	[tilespmem:$0x1EC00] =	vst v63  }
0x53: {  	_ =	swait.ge [sflag:s3], $0x4000  }
0x54: {  	[sflag:s3] =	ssyncset.done $0x0  }
0x55: {  	[sflag:s3] =	ssyncadd.s32 $0xFFFFC000  }
0x56: {  	_ =	swait.ge [sflag:s26], $0x100  }
0x57: {  	[sflag:s26] =	ssyncset.done $0x0  }
0x58: {  	[sflag:s26] =	ssyncadd.s32 $0xFFFFFF00  }
0x59: {  	[tilespmem:s24], [sflag:$0x1] =	stream.indirect.gather [hbm4b:s1+s28], $0x80, s4, s28, $0xb8;
	[tilespmem:$0x1EC00] =	vst v63  }
0x5a: {  	_ =	swait.ge [sflag:s29], $0x100  }
0x5b: {  	[sflag:s29] =	ssyncset.done $0x0  }
0x5c: {  	[sflag:s29] =	ssyncadd.s32 $0xFFFFFF00  }
0x5d: {  	[tilespmem:s30], [sflag:$0x2] =	stream.indirect.gather [hbm4b:s1+s28], $0x80, s21, s28, $0xb8;
	[tilespmem:$0x1EC00] =	vst v63  }
0x5e: {  	s15 =	simm.s32 $0x4;
	s17 =	simm.s32 $0x0;
	[bflag:$0x0] =	sbarrier.arrive $0xFFFF  }
.LBB2_2:
0x5f: {  	_ =	swait.ge [sflag:s31], $0x4000  }
0x60: {  	[sflag:s31] =	ssyncset.done $0x0  }
0x61: {  	[sflag:s31] =	ssyncadd.s32 $0xFFFFC000  }
0x62: {  	[spmem:s2] =	stream.indirect.scatter.add.f32 [tilespmem:s24], [sflag:$0x3], $0x80, s28, s28, $0xb8;
	[tilespmem:$0x1EC00] =	vst v63  }
0x63: {  	v1 =	vld [tilespmem:$0x80];
	_ =	sdelay $0x7  }
0x64: {  	[tilespmem:v1+s25+$0x0] =	vst.idx.add.f32.msk $0xffff, v0  }
0x65: {  	v1 =	vld [tilespmem:$0x90];
	_ =	sdelay $0x7  }
0x66: {  	[tilespmem:v1+s25+$0x0] =	vst.idx.add.f32.msk $0xffff, v0  }
0x67: {  	v1 =	vld [tilespmem:$0xA0];
	_ =	sdelay $0x7  }
0x68: {  	[tilespmem:v1+s25+$0x0] =	vst.idx.add.f32.msk $0xffff, v0  }
0x69: {  	v1 =	vld [tilespmem:$0xB0];
	_ =	sdelay $0x7  }
0x6a: {  	[tilespmem:v1+s25+$0x0] =	vst.idx.add.f32.msk $0xffff, v0  }
0x6b: {  	v1 =	vld [tilespmem:$0xC0];
	_ =	sdelay $0x7  }
0x6c: {  	[tilespmem:v1+s25+$0x0] =	vst.idx.add.f32.msk $0xffff, v0  }
0x6d: {  	v1 =	vld [tilespmem:$0xD0];
	_ =	sdelay $0x7  }
0x6e: {  	[tilespmem:v1+s25+$0x0] =	vst.idx.add.f32.msk $0xffff, v0  }
0x6f: {  	v1 =	vld [tilespmem:$0xE0];
	_ =	sdelay $0x7  }
0x70: {  	[tilespmem:v1+s25+$0x0] =	vst.idx.add.f32.msk $0xffff, v0  }
0x71: {  	v1 =	vld [tilespmem:$0xF0];
	_ =	sdelay $0x7  }
0x72: {  	[tilespmem:v1+s25+$0x0] =	vst.idx.add.f32.msk $0xffff, v0  }
0x73: {  	_ =	swait.ge [sflag:s0], $0x4000  }
0x74: {  	[sflag:s0] =	ssyncset.done $0x0  }
0x75: {  	s16 =	rddreg [dreg:$0x4];
	[sflag:s0] =	ssyncadd.s32 $0xFFFFC000  }
0x76: {  	[spmem:s2] =	stream.indirect.scatter.add.f32 [tilespmem:s30], [sflag:$0x4], $0x80, s16, s28, $0xb8;
	[tilespmem:$0x1EC00] =	vst v63  }
0x77: {  	v1 =	vld [tilespmem:$0x180];
	_ =	sdelay $0x7  }
0x78: {  	[tilespmem:v1+s25+$0x0] =	vst.idx.add.f32.msk $0xffff, v0  }
0x79: {  	v1 =	vld [tilespmem:$0x190];
	_ =	sdelay $0x7  }
0x7a: {  	[tilespmem:v1+s25+$0x0] =	vst.idx.add.f32.msk $0xffff, v0  }
0x7b: {  	v1 =	vld [tilespmem:$0x1A0];
	_ =	sdelay $0x7  }
0x7c: {  	[tilespmem:v1+s25+$0x0] =	vst.idx.add.f32.msk $0xffff, v0  }
0x7d: {  	v1 =	vld [tilespmem:$0x1B0];
	_ =	sdelay $0x7  }
0x7e: {  	[tilespmem:v1+s25+$0x0] =	vst.idx.add.f32.msk $0xffff, v0  }
0x7f: {  	v1 =	vld [tilespmem:$0x1C0];
	_ =	sdelay $0x7  }
0x80: {  	[tilespmem:v1+s25+$0x0] =	vst.idx.add.f32.msk $0xffff, v0  }
0x81: {  	v1 =	vld [tilespmem:$0x1D0];
	_ =	sdelay $0x7  }
0x82: {  	[tilespmem:v1+s25+$0x0] =	vst.idx.add.f32.msk $0xffff, v0  }
0x83: {  	v1 =	vld [tilespmem:$0x1E0];
	_ =	sdelay $0x7  }
0x84: {  	[tilespmem:v1+s25+$0x0] =	vst.idx.add.f32.msk $0xffff, v0  }
0x85: {  	v1 =	vld [tilespmem:$0x1F0];
	_ =	sdelay $0x5  }
0x86: {  	s16 =	smov.u32 s17;
	s17 =	sadd.s32 $0x400, s17  }
0x87: {  	p1 =	seq.s32 s16, $0x4C00;
	s18 =	smov.u32 s17  }
0x88: {  	s19 =	smulhi.u32 $0xCCCCCCCD, s15;
	s18 =	simm.s32 @p1 $0x0;
	[tilespmem:v1+s25+$0x0] =	vst.idx.add.f32.msk $0xffff, v0  }
0x89: {  	s18 =	sadd.s32 s8, s18;
	_ =	swait.ge [sflag:s6], $0x4000  }
0x8a: {  	s19 =	sshrl.u32 s19, $0x6;
	s18 =	sshrl.u32 s18, $0x3;
	[sflag:s6] =	ssyncset.done $0x0  }
0x8b: {  	s19 =	smul.u32 $0x5000, s19;
	s18 =	sadd.s32 s5, s18;
	[sflag:s6] =	ssyncadd.s32 $0xFFFFC000  }
0x8c: {  	[tilespmem:s4], [sflag:$0x5] =	stream.linear.gather [hbm4b:s18+s4], $0x100, $0x38;
	[tilespmem:$0x1EC00] =	vst v63  }
0x8d: {  	_ =	swait.ge [sflag:s10], $0x100  }
0x8e: {  	s18 =	ssub.s32 s8, s19;
	[sflag:s10] =	ssyncset.done $0x0  }
0x8f: {  	s18 =	sadd.s32 s18, s16;
	[sflag:s10] =	ssyncadd.s32 $0xFFFFFF00  }
0x90: {  	[tilespmem:s24], [sflag:$0x1] =	stream.indirect.gather [hbm4b:s1+s28], $0x80, s22, s28, $0xb8;
	[tilespmem:$0x1EC00] =	vst v63  }
0x91: {  	s19 =	sadd.s32 $0x500, s18;
	_ =	swait.ge [sflag:s11], $0x4000  }
0x92: {  	s19 =	sshrl.u32 s19, $0x3;
	[sflag:s11] =	ssyncset.done $0x0  }
0x93: {  	s19 =	sadd.s32 s5, s19;
	[sflag:s11] =	ssyncadd.s32 $0xFFFFC000  }
0x94: {  	[tilespmem:s21], [sflag:$0x6] =	stream.linear.gather [hbm4b:s19+s4], $0x100, $0x38;
	[tilespmem:$0x1EC00] =	vst v63  }
0x95: {  	_ =	swait.ge [sflag:s12], $0x100  }
0x96: {  	[sflag:s12] =	ssyncset.done $0x0  }
0x97: {  	[sflag:s12] =	ssyncadd.s32 $0xFFFFFF00  }
0x98: {  	[tilespmem:s30], [sflag:$0x2] =	stream.indirect.gather [hbm4b:s1+s28], $0x80, s23, s28, $0xb8;
	[tilespmem:$0x1EC00] =	vst v63  }
0x99: {  	_ =	swait.ge [sflag:s31], $0x4000  }
0x9a: {  	[sflag:s31] =	ssyncset.done $0x0  }
0x9b: {  	s19 =	rddreg [dreg:$0x5];
	[sflag:s31] =	ssyncadd.s32 $0xFFFFC000  }
0x9c: {  	[spmem:s2] =	stream.indirect.scatter.add.f32 [tilespmem:s24], [sflag:$0x3], $0x80, s19, s28, $0xb8;
	[tilespmem:$0x1EC00] =	vst v63  }
0x9d: {  	v1 =	vld [tilespmem:$0x280];
	_ =	sdelay $0x7  }
0x9e: {  	[tilespmem:v1+s25+$0x0] =	vst.idx.add.f32.msk $0xffff, v0  }
0x9f: {  	v1 =	vld [tilespmem:$0x290];
	_ =	sdelay $0x7  }
0xa0: {  	[tilespmem:v1+s25+$0x0] =	vst.idx.add.f32.msk $0xffff, v0  }
0xa1: {  	v1 =	vld [tilespmem:$0x2A0];
	_ =	sdelay $0x7  }
0xa2: {  	[tilespmem:v1+s25+$0x0] =	vst.idx.add.f32.msk $0xffff, v0  }
0xa3: {  	v1 =	vld [tilespmem:$0x2B0];
	_ =	sdelay $0x7  }
0xa4: {  	[tilespmem:v1+s25+$0x0] =	vst.idx.add.f32.msk $0xffff, v0  }
0xa5: {  	v1 =	vld [tilespmem:$0x2C0];
	_ =	sdelay $0x7  }
0xa6: {  	[tilespmem:v1+s25+$0x0] =	vst.idx.add.f32.msk $0xffff, v0  }
0xa7: {  	v1 =	vld [tilespmem:$0x2D0];
	_ =	sdelay $0x7  }
0xa8: {  	[tilespmem:v1+s25+$0x0] =	vst.idx.add.f32.msk $0xffff, v0  }
0xa9: {  	v1 =	vld [tilespmem:$0x2E0];
	_ =	sdelay $0x7  }
0xaa: {  	[tilespmem:v1+s25+$0x0] =	vst.idx.add.f32.msk $0xffff, v0  }
0xab: {  	v1 =	vld [tilespmem:$0x2F0];
	_ =	sdelay $0x7  }
0xac: {  	[tilespmem:v1+s25+$0x0] =	vst.idx.add.f32.msk $0xffff, v0  }
0xad: {  	_ =	swait.ge [sflag:s0], $0x4000  }
0xae: {  	[sflag:s0] =	ssyncset.done $0x0  }
0xaf: {  	s19 =	rddreg [dreg:$0x6];
	[sflag:s0] =	ssyncadd.s32 $0xFFFFC000  }
0xb0: {  	[spmem:s2] =	stream.indirect.scatter.add.f32 [tilespmem:s30], [sflag:$0x4], $0x80, s19, s28, $0xb8;
	[tilespmem:$0x1EC00] =	vst v63  }
0xb1: {  	v1 =	vld [tilespmem:$0x380];
	_ =	sdelay $0x7  }
0xb2: {  	[tilespmem:v1+s25+$0x0] =	vst.idx.add.f32.msk $0xffff, v0  }
0xb3: {  	v1 =	vld [tilespmem:$0x390];
	_ =	sdelay $0x7  }
0xb4: {  	[tilespmem:v1+s25+$0x0] =	vst.idx.add.f32.msk $0xffff, v0  }
0xb5: {  	v1 =	vld [tilespmem:$0x3A0];
	_ =	sdelay $0x7  }
0xb6: {  	[tilespmem:v1+s25+$0x0] =	vst.idx.add.f32.msk $0xffff, v0  }
0xb7: {  	v1 =	vld [tilespmem:$0x3B0];
	_ =	sdelay $0x7  }
0xb8: {  	[tilespmem:v1+s25+$0x0] =	vst.idx.add.f32.msk $0xffff, v0  }
0xb9: {  	v1 =	vld [tilespmem:$0x3C0];
	_ =	sdelay $0x7  }
0xba: {  	[tilespmem:v1+s25+$0x0] =	vst.idx.add.f32.msk $0xffff, v0  }
0xbb: {  	v1 =	vld [tilespmem:$0x3D0];
	_ =	sdelay $0x7  }
0xbc: {  	[tilespmem:v1+s25+$0x0] =	vst.idx.add.f32.msk $0xffff, v0  }
0xbd: {  	v1 =	vld [tilespmem:$0x3E0];
	_ =	sdelay $0x7  }
0xbe: {  	[tilespmem:v1+s25+$0x0] =	vst.idx.add.f32.msk $0xffff, v0  }
0xbf: {  	v1 =	vld [tilespmem:$0x3F0];
	_ =	sdelay $0x7  }
0xc0: {  	[tilespmem:v1+s25+$0x0] =	vst.idx.add.f32.msk $0xffff, v0  }
0xc1: {  	s19 =	sadd.s32 $0x600, s18;
	_ =	swait.ge [sflag:s6], $0x4000  }
0xc2: {  	s19 =	sshrl.u32 s19, $0x3;
	[sflag:s6] =	ssyncset.done $0x0  }
0xc3: {  	s19 =	sadd.s32 s5, s19;
	[sflag:s6] =	ssyncadd.s32 $0xFFFFC000  }
0xc4: {  	[tilespmem:s22], [sflag:$0x7] =	stream.linear.gather [hbm4b:s19+s4], $0x100, $0x38;
	[tilespmem:$0x1EC00] =	vst v63  }
0xc5: {  	_ =	swait.ge [sflag:s26], $0x100  }
0xc6: {  	[sflag:s26] =	ssyncset.done $0x0  }
0xc7: {  	[sflag:s26] =	ssyncadd.s32 $0xFFFFFF00  }
0xc8: {  	[tilespmem:s24], [sflag:$0x1] =	stream.indirect.gather [hbm4b:s1+s28], $0x80, s4, s28, $0xb8;
	[tilespmem:$0x1EC00] =	vst v63  }
0xc9: {  	s18 =	sadd.s32 $0x700, s18;
	_ =	swait.ge [sflag:s11], $0x4000  }
0xca: {  	s18 =	sshrl.u32 s18, $0x3;
	[sflag:s11] =	ssyncset.done $0x0  }
0xcb: {  	p1 =	sne.s32 s16, $0x4C00;
	s18 =	sadd.s32 s5, s18;
	[sflag:s11] =	ssyncadd.s32 $0xFFFFC000  }
0xcc: {  	[tilespmem:s23], [sflag:$0x8] =	stream.linear.gather [hbm4b:s18+s4], $0x100, $0x38;
	[tilespmem:$0x1EC00] =	vst v63  }
.Ltmp0:
0xcd: {  	_ = 	snop;
	(pc) =	sbr.rel @p1 .LBB2_2-.Ltmp0, $4  }
0xce: {  	_ =	swait.ge [sflag:s29], $0x100  }
0xcf: {  	[sflag:s29] =	ssyncset.done $0x0  }
0xd0: {  	s15 =	sadd.s32 $0x4, s15;
	[sflag:s29] =	ssyncadd.s32 $0xFFFFFF00  }
0xd1: {  	[tilespmem:s30], [sflag:$0x2] =	stream.indirect.gather [hbm4b:s1+s28], $0x80, s21, s28, $0xb8;
	[tilespmem:$0x1EC00] =	vst v63  }
0xd2: {  	_ =	swait.ge [sflag:s31], $0x4000  }
0xd3: {  	[sflag:s31] =	ssyncset.done $0x0  }
0xd4: {  	[sflag:s31] =	ssyncadd.s32 $0xFFFFC000  }
0xd5: {  	_ =	swait.ge [sflag:s10], $0x100  }
0xd6: {  	[sflag:s10] =	ssyncset.done $0x0  }
0xd7: {  	[sflag:s10] =	ssyncadd.s32 $0xFFFFFF00  }
0xd8: {  	_ =	swait.ge [sflag:s0], $0x4000  }
0xd9: {  	[sflag:s0] =	ssyncset.done $0x0  }
0xda: {  	[sflag:s0] =	ssyncadd.s32 $0xFFFFC000  }
0xdb: {  	_ =	swait.ge [sflag:s12], $0x100  }
0xdc: {  	s15 =	simm.s32 @!p0 $0x80;
	s16 =	simm.s32 @!p0 $0x400;
	[sflag:s12] =	ssyncset.done $0x0  }
0xdd: {  	s17 =	simm.s32 @!p0 $0x8400;
	s18 =	rddreg [dreg:$0xb];
	[sflag:s12] =	ssyncadd.s32 $0xFFFFFF00  }
0xde: {  	[hbm4b:s18+s15] =	stream.strided.scatter @!p0 [tilespmem:s17], [sflag:$0x9], $0x2800, s16, s15, $0x38;
	[tilespmem:$0x1EC00] =	vst v63  }
0xdf: {  	s15 =	simm.s32 @!p0 $0x9  }
0xe0: {  	_ =	swait.ge @!p0 [sflag:s15], $0x2800  }
0xe1: {  	[sflag:s15] =	ssyncset.done @!p0 $0x0  }
0xe2: {  	s16 =	stileid.u32;
	[sflag:s15] =	ssyncadd.s32 @!p0 $0xFFFFD800  }
0xe3: {  	s15 =	sshll.u32 s16, $0x6;
	[bflag:$0x0] =	sbarrier.arrive $0xFFFF  }
0xe4: {  	s17 =	sshrl.u32 s13, $0x3;
	s15 =	sor.u32 $0x1C09, s15;
	s18 =	rddreg [dreg:$0xc]  }
0xe5: {  	[hbm:s18], [sflag:s15] =	dma.local [spmem:s17], $0x2800  }
0xe6: {  	_ =	swait.ge [sflag:s3], $0x2800  }
0xe7: {  	s14 =	sadd.s32 $0x1, s14;
	s19 =	rddreg [dreg:$0xd]  }
0xe8: {  	p1 =	sne.s32 s14, s19  }
.Ltmp1:
0xe9: {  	_ = 	snop;
	(pc) =	sbr.rel @p1 .LBB2_1-.Ltmp1, $3  }
0xea: {  	_ =	sdelay $0x1  }
0xeb: {  	[sflag:s3] =	ssyncset.done $0x0  }
0xec: {  	[sflag:s3] =	ssyncadd.s32 $0xFFFFD800  }
0xed: {  	_ =	sfence.sel $0x180000  }
0xee: {  	[bflag:$0x0] =	sbarrier.arrive $0xFFFF  }
0xef: {  	_ =	strace $0x90000047  }
0xf0: {  	s0 =	stileid.u32;
	[bflag:$0x2] =	sbarrier.arrive $0xFFFF  }
0xf1: {  	p0 =	sne.s32 s0, $0x0;
	s0 =	rddreg [dreg:$0x3]  }
0xf2: {  	s0 =	sadd.s32 @!p0 $0x100000, s0  }
0xf3: {  	[sflag:s0] =	ssyncadd.tile.s32 @!p0 $0x1;
	_ =	shalt  }
.Lfunc_end2:
_tile_overlayer_lowered:
.L_overlay_start_2:
0xf4: {  	(tag) =	ssettag $0x2  }
0xf5: {  	s0 =	rddreg [dreg:$0x0];
	s2 =	stileid.u32  }
0xf6: {  	s1 =	rddreg [dreg:$0x1];
	p0 =	sne.s32 s2, $0x0  }
0xf7: {  	s3 =	rddreg [dreg:$0x2];
	[bflag:$0x3] =	sbarrier.arrive $0xFFFF;
	s2 =	simm.s32 @!p0 $0x1C09  }
0xf8: {  	[timem:s3], [sflag:s2] =	dma.local @!p0 [hbm:s0], s1  }
0xf9: {  	s0 =	simm.s32 @!p0 $0x9  }
0xfa: {  	_ =	swait.ge @!p0 [sflag:s0], s1  }
0xfb: {  	s1 =	ssub.s32 @!p0 $0x0, s1;
	[sflag:s0] =	ssyncset.done @!p0 $0x0  }
0xfc: {  	[sflag:s0] =	ssyncadd.s32 @!p0 s1  }
0xfd: {  	[bflag:$0x3] =	sbarrier.arrive $0xFFFF  }
0xfe: {  	_ =	shalt  }

</sc_bundles>
